<compile_context>
chip_gen: v7x
topology: tpu7x:2x2x1
jax: 0.10.2.dev20260603
libtpu: 0.0.44.dev20260713+nightly
codegen_flags: <defaults>
</compile_context>

<pallas_src>
import functools

import jax
import jax.numpy as jnp
from jax import lax
from jax.experimental import pallas as pl
from jax.experimental.pallas import tpu as pltpu
from jax.experimental.pallas import tpu_sc as plsc

_NC = 2
_NS = 16
_NW = _NC * _NS

_B = 4
_S = 8192
_D = 1024
_ROWS = _B * _S
_RPW = _ROWS // _NW
_R = 16
_CHUNK = _R * _D
_NCHUNK = _RPW // _R
_NB = 2


def _sc_body(x_hbm, emb_hbm, out_hbm, xbufs, ebufs, obufs, semx, seme, semo):
    wid = lax.axis_index("s") * _NC + lax.axis_index("c")
    base_row = wid * _RPW
    base = base_row * _D
    ebase = (base_row % _S) * _D
    last = (_NCHUNK - 1) * _CHUNK

    def start_in(b, j):
        off = lax.min(j * _CHUNK, last)
        pltpu.async_copy(x_hbm.at[pl.ds(base + off, _CHUNK)], xbufs[b],
                         semx.at[b])
        pltpu.async_copy(emb_hbm.at[pl.ds(ebase + off, _CHUNK)], ebufs[b],
                         seme.at[b])

    def wait_in(b):
        pltpu.make_async_copy(x_hbm.at[pl.ds(base, _CHUNK)], xbufs[b],
                              semx.at[b]).wait()
        pltpu.make_async_copy(emb_hbm.at[pl.ds(ebase, _CHUNK)], ebufs[b],
                              seme.at[b]).wait()

    def wait_out(b):
        pltpu.make_async_copy(obufs[b], out_hbm.at[pl.ds(base, _CHUNK)],
                              semo.at[b]).wait()

    for b in range(_NB):
        start_in(b, jnp.int32(b))

    @pl.loop(0, _NCHUNK, step=_NB)
    def _outer(j0):
        for b in range(_NB):
            j = j0 + b
            wait_in(b)

            @pl.when(j >= _NB)
            def _():
                wait_out(b)

            @plsc.parallel_loop(0, _CHUNK // 16, unroll=8)
            def _add(i):
                s = pl.ds(i * 16, 16)
                obufs[b][s] = xbufs[b][s] + ebufs[b][s]

            pltpu.async_copy(obufs[b], out_hbm.at[pl.ds(base + j * _CHUNK,
                                                        _CHUNK)], semo.at[b])
            start_in(b, j + _NB)

    for b in range(_NB):
        wait_in(b)
        wait_out(b)


@functools.partial(
    pl.kernel,
    out_type=jax.ShapeDtypeStruct((_ROWS * _D,), jnp.float32),
    mesh=plsc.VectorSubcoreMesh(
        core_axis_name="c", subcore_axis_name="s", num_cores=_NC,
        num_subcores=_NS),
    scratch_types=[
        [pltpu.VMEM((_CHUNK,), jnp.float32) for _ in range(_NB)],
        [pltpu.VMEM((_CHUNK,), jnp.float32) for _ in range(_NB)],
        [pltpu.VMEM((_CHUNK,), jnp.float32) for _ in range(_NB)],
        pltpu.SemaphoreType.DMA((_NB,)),
        pltpu.SemaphoreType.DMA((_NB,)),
        pltpu.SemaphoreType.DMA((_NB,)),
    ],
)
def _sc_add(x_hbm, emb_hbm, out_hbm, xbufs, ebufs, obufs, semx, seme, semo):
    _sc_body(x_hbm, emb_hbm, out_hbm, xbufs, ebufs, obufs, semx, seme, semo)


def kernel(x, emb_table):
    batch, seq_len, d_model = x.shape
    out_flat = _sc_add(x.reshape(-1), emb_table.reshape(-1))
    return out_flat.reshape(batch, seq_len, d_model)

# --- scband reference (transcript-rebuilt; emitter-appended) ---
"""Pipeline reference for scband-learned-positional-embedding-13116830122141 (READ-ONLY COPY).

The authoritative reference and input builder live on the scoring server;
editing this copy changes nothing except your own understanding.
"""

import jax, jax.numpy as jnp
import numpy as np

MAX_SEQ_LEN = 8192
D_MODEL = 1024

def setup_inputs(seed: int = 0) -> dict:
    key = jax.random.key(seed)
    k1, k2 = jax.random.split(key)
    x = jax.random.normal(k1, (4, 8192, D_MODEL), dtype=jnp.float32)
    # learned positional embedding table (nn.Embedding weight), default init ~ N(0,1)
    emb_table = jax.random.normal(k2, (MAX_SEQ_LEN, D_MODEL), dtype=jnp.float32)
    return {"x": x, "emb_table": emb_table}

def reference(x, emb_table):
    batch_size, seq_len, d_model = x.shape
    positions = jnp.arange(seq_len)  # [seq_len]
    positions = jnp.broadcast_to(positions[None, :], (batch_size, seq_len))  # [B, S]
    pos_emb = jnp.take(emb_table, positions, axis=0)  # [B, S, D] gather
    return x + pos_emb

if __name__ == "__main__":
    import jax
    _d = setup_inputs()
    print(jax.jit(kernel)(*tuple(_d.values())))

</pallas_src>

<mosaic_0001>
#map = affine_map<(d0, d1) -> (0)>
module attributes {stable_mosaic.version = 14 : i64} {
  func.func @_sc_add(%arg0: i32, %arg1: i32, %arg2: memref<33554432xf32, #tpu.memory_space<hbm>>, %arg3: memref<8388608xf32, #tpu.memory_space<hbm>>, %arg4: memref<33554432xf32, #tpu.memory_space<hbm>>, %arg5: memref<16384xf32, #tpu.memory_space<vmem>>, %arg6: memref<16384xf32, #tpu.memory_space<vmem>>, %arg7: memref<16384xf32, #tpu.memory_space<vmem>>, %arg8: memref<16384xf32, #tpu.memory_space<vmem>>, %arg9: memref<16384xf32, #tpu.memory_space<vmem>>, %arg10: memref<16384xf32, #tpu.memory_space<vmem>>, %arg11: memref<2x!tpu.dma_semaphore, #tpu.memory_space<semaphore_mem>>, %arg12: memref<2x!tpu.dma_semaphore, #tpu.memory_space<semaphore_mem>>, %arg13: memref<2x!tpu.dma_semaphore, #tpu.memory_space<semaphore_mem>>) attributes {dimension_semantics = [#tpu.dimension_semantics<core_parallel>, #tpu.dimension_semantics<subcore_parallel>], iteration_bounds = array<i64: 2, 16>, scalar_prefetch = 0 : i64, scratch_operands = 9 : i64, tpu.core_type = #tpu.core_type<sc_vector_subcore>, window_params = [{transform_indices = #map}, {transform_indices = #map}, {transform_indices = #map}]} {
    %mul3A = arith.constant 2 : i32
    %mul3A_0 = arith.muli %arg1, %mul3A : i32
    %add3A = arith.addi %mul3A_0, %arg0 : i32
    %mul3A_1 = arith.constant 1024 : i32
    %mul3A_2 = arith.muli %add3A, %mul3A_1 : i32
    %mul3A_3 = arith.constant 1024 : i32
    %mul3A_4 = arith.muli %mul3A_2, %mul3A_3 : i32
    %jit3A = arith.constant 8192 : i32
    %eq3A = arith.constant 0 : i32
    %eq3A_5 = arith.cmpi eq, %jit3A, %eq3A : i32
    %jit3A_6 = arith.constant 1 : i32
    %select_n3A = arith.select %eq3A_5, %jit3A_6, %jit3A : i32
    %rem3A = arith.remsi %mul3A_2, %select_n3A : i32
    %ne3A = arith.constant 0 : i32
    %ne3A_7 = arith.cmpi ne, %rem3A, %ne3A : i32
    %lt3A = arith.constant 0 : i32
    %lt3A_8 = arith.cmpi slt, %rem3A, %lt3A : i32
    %lt3A_9 = arith.constant 0 : i32
    %lt3A_10 = arith.cmpi slt, %select_n3A, %lt3A_9 : i32
    %ne3A_11 = arith.xori %lt3A_8, %lt3A_10 : i1
    %and3A = arith.andi %ne3A_11, %ne3A_7 : i1
    %add3A_12 = arith.addi %rem3A, %select_n3A : i32
    %select_n3A_13 = arith.select %and3A, %add3A_12, %rem3A : i32
    %mul3A_14 = arith.constant 1024 : i32
    %mul3A_15 = arith.muli %select_n3A_13, %mul3A_14 : i32
    %mul3A_16 = arith.constant 0 : i32
    %mul3A_17 = arith.constant 16384 : i32
    %mul3A_18 = arith.muli %mul3A_16, %mul3A_17 : i32
    %min3A = arith.constant 1032192 : i32
    %min3A_19 = arith.minsi %mul3A_18, %min3A : i32
    %add3A_20 = arith.addi %mul3A_4, %min3A_19 : i32
    %dma_start3A = arith.constant 0 : i32
    %dma_start3A_21 = tpu.memref_slice %arg2[%add3A_20] : memref<33554432xf32, #tpu.memory_space<hbm>> -> memref<16384xf32, #tpu.memory_space<hbm>>
    %dma_start3A_22 = tpu.memref_slice %arg11[%dma_start3A] : memref<2x!tpu.dma_semaphore, #tpu.memory_space<semaphore_mem>> -> memref<1x!tpu.dma_semaphore, #tpu.memory_space<semaphore_mem>>
    %dma_start3A_23 = tpu.memref_squeeze %dma_start3A_22 : memref<1x!tpu.dma_semaphore, #tpu.memory_space<semaphore_mem>> -> memref<!tpu.dma_semaphore, #tpu.memory_space<semaphore_mem>>
    %dma_start3A_24 = tpu.memref_slice %arg2[%add3A_20] : memref<33554432xf32, #tpu.memory_space<hbm>> -> memref<16384xf32, #tpu.memory_space<hbm>>
    tpu.enqueue_dma source(%dma_start3A_24 : memref<16384xf32, #tpu.memory_space<hbm>>) target(%arg5 : memref<16384xf32, #tpu.memory_space<vmem>>) target_semaphore(%dma_start3A_23 : memref<!tpu.dma_semaphore, #tpu.memory_space<semaphore_mem>>)
    %add3A_25 = arith.addi %mul3A_15, %min3A_19 : i32
    %dma_start3A_26 = arith.constant 0 : i32
    %dma_start3A_27 = tpu.memref_slice %arg3[%add3A_25] : memref<8388608xf32, #tpu.memory_space<hbm>> -> memref<16384xf32, #tpu.memory_space<hbm>>
    %dma_start3A_28 = tpu.memref_slice %arg12[%dma_start3A_26] : memref<2x!tpu.dma_semaphore, #tpu.memory_space<semaphore_mem>> -> memref<1x!tpu.dma_semaphore, #tpu.memory_space<semaphore_mem>>
    %dma_start3A_29 = tpu.memref_squeeze %dma_start3A_28 : memref<1x!tpu.dma_semaphore, #tpu.memory_space<semaphore_mem>> -> memref<!tpu.dma_semaphore, #tpu.memory_space<semaphore_mem>>
    %dma_start3A_30 = tpu.memref_slice %arg3[%add3A_25] : memref<8388608xf32, #tpu.memory_space<hbm>> -> memref<16384xf32, #tpu.memory_space<hbm>>
    tpu.enqueue_dma source(%dma_start3A_30 : memref<16384xf32, #tpu.memory_space<hbm>>) target(%arg7 : memref<16384xf32, #tpu.memory_space<vmem>>) target_semaphore(%dma_start3A_29 : memref<!tpu.dma_semaphore, #tpu.memory_space<semaphore_mem>>)
    %mul3A_31 = arith.constant 1 : i32
    %mul3A_32 = arith.constant 16384 : i32
    %mul3A_33 = arith.muli %mul3A_31, %mul3A_32 : i32
    %min3A_34 = arith.constant 1032192 : i32
    %min3A_35 = arith.minsi %mul3A_33, %min3A_34 : i32
    %add3A_36 = arith.addi %mul3A_4, %min3A_35 : i32
    %dma_start3A_37 = arith.constant 1 : i32
    %dma_start3A_38 = tpu.memref_slice %arg2[%add3A_36] : memref<33554432xf32, #tpu.memory_space<hbm>> -> memref<16384xf32, #tpu.memory_space<hbm>>
    %dma_start3A_39 = tpu.memref_slice %arg11[%dma_start3A_37] : memref<2x!tpu.dma_semaphore, #tpu.memory_space<semaphore_mem>> -> memref<1x!tpu.dma_semaphore, #tpu.memory_space<semaphore_mem>>
    %dma_start3A_40 = tpu.memref_squeeze %dma_start3A_39 : memref<1x!tpu.dma_semaphore, #tpu.memory_space<semaphore_mem>> -> memref<!tpu.dma_semaphore, #tpu.memory_space<semaphore_mem>>
    %dma_start3A_41 = tpu.memref_slice %arg2[%add3A_36] : memref<33554432xf32, #tpu.memory_space<hbm>> -> memref<16384xf32, #tpu.memory_space<hbm>>
    tpu.enqueue_dma source(%dma_start3A_41 : memref<16384xf32, #tpu.memory_space<hbm>>) target(%arg6 : memref<16384xf32, #tpu.memory_space<vmem>>) target_semaphore(%dma_start3A_40 : memref<!tpu.dma_semaphore, #tpu.memory_space<semaphore_mem>>)
    %add3A_42 = arith.addi %mul3A_15, %min3A_35 : i32
    %dma_start3A_43 = arith.constant 1 : i32
    %dma_start3A_44 = tpu.memref_slice %arg3[%add3A_42] : memref<8388608xf32, #tpu.memory_space<hbm>> -> memref<16384xf32, #tpu.memory_space<hbm>>
    %dma_start3A_45 = tpu.memref_slice %arg12[%dma_start3A_43] : memref<2x!tpu.dma_semaphore, #tpu.memory_space<semaphore_mem>> -> memref<1x!tpu.dma_semaphore, #tpu.memory_space<semaphore_mem>>
    %dma_start3A_46 = tpu.memref_squeeze %dma_start3A_45 : memref<1x!tpu.dma_semaphore, #tpu.memory_space<semaphore_mem>> -> memref<!tpu.dma_semaphore, #tpu.memory_space<semaphore_mem>>
    %dma_start3A_47 = tpu.memref_slice %arg3[%add3A_42] : memref<8388608xf32, #tpu.memory_space<hbm>> -> memref<16384xf32, #tpu.memory_space<hbm>>
    tpu.enqueue_dma source(%dma_start3A_47 : memref<16384xf32, #tpu.memory_space<hbm>>) target(%arg8 : memref<16384xf32, #tpu.memory_space<vmem>>) target_semaphore(%dma_start3A_46 : memref<!tpu.dma_semaphore, #tpu.memory_space<semaphore_mem>>)
    %scan3A = arith.constant 0 : i32
    %scan3A_48 = arith.constant 32 : i32
    %scan3A_49 = arith.addi %scan3A, %scan3A_48 : i32
    %scan3A_50 = arith.constant 1 : i32
    scf.for %scan3A_81 = %scan3A to %scan3A_49 step %scan3A_50  : i32 {
      %mul3A_82 = arith.constant 2 : i32
      %mul3A_83 = arith.muli %scan3A_81, %mul3A_82 : i32
      %add3A_84 = arith.constant 0 : i32
      %add3A_85 = arith.addi %add3A_84, %mul3A_83 : i32
      %add3A_86 = arith.constant 0 : i32
      %add3A_87 = arith.addi %add3A_85, %add3A_86 : i32
      %dma_wait3A_88 = arith.constant 0 : i32
      %dma_wait3A_89 = tpu.memref_slice %arg2[%mul3A_4] : memref<33554432xf32, #tpu.memory_space<hbm>> -> memref<16384xf32, #tpu.memory_space<hbm>>
      %dma_wait3A_90 = tpu.memref_slice %arg11[%dma_wait3A_88] : memref<2x!tpu.dma_semaphore, #tpu.memory_space<semaphore_mem>> -> memref<1x!tpu.dma_semaphore, #tpu.memory_space<semaphore_mem>>
      %dma_wait3A_91 = tpu.memref_squeeze %dma_wait3A_90 : memref<1x!tpu.dma_semaphore, #tpu.memory_space<semaphore_mem>> -> memref<!tpu.dma_semaphore, #tpu.memory_space<semaphore_mem>>
      %dma_wait3A_92 = tpu.memref_slice %arg2[%mul3A_4] : memref<33554432xf32, #tpu.memory_space<hbm>> -> memref<16384xf32, #tpu.memory_space<hbm>>
      tpu.wait_dma2 semaphore(%dma_wait3A_91 : memref<!tpu.dma_semaphore, #tpu.memory_space<semaphore_mem>>) src(%dma_wait3A_92 : memref<16384xf32, #tpu.memory_space<hbm>>) dst(%arg5 : memref<16384xf32, #tpu.memory_space<vmem>>)
      %dma_wait3A_93 = arith.constant 0 : i32
      %dma_wait3A_94 = tpu.memref_slice %arg3[%mul3A_15] : memref<8388608xf32, #tpu.memory_space<hbm>> -> memref<16384xf32, #tpu.memory_space<hbm>>
      %dma_wait3A_95 = tpu.memref_slice %arg12[%dma_wait3A_93] : memref<2x!tpu.dma_semaphore, #tpu.memory_space<semaphore_mem>> -> memref<1x!tpu.dma_semaphore, #tpu.memory_space<semaphore_mem>>
      %dma_wait3A_96 = tpu.memref_squeeze %dma_wait3A_95 : memref<1x!tpu.dma_semaphore, #tpu.memory_space<semaphore_mem>> -> memref<!tpu.dma_semaphore, #tpu.memory_space<semaphore_mem>>
      %dma_wait3A_97 = tpu.memref_slice %arg3[%mul3A_15] : memref<8388608xf32, #tpu.memory_space<hbm>> -> memref<16384xf32, #tpu.memory_space<hbm>>
      tpu.wait_dma2 semaphore(%dma_wait3A_96 : memref<!tpu.dma_semaphore, #tpu.memory_space<semaphore_mem>>) src(%dma_wait3A_97 : memref<16384xf32, #tpu.memory_space<hbm>>) dst(%arg7 : memref<16384xf32, #tpu.memory_space<vmem>>)
      %ge3A = arith.constant 2 : i32
      %ge3A_98 = arith.cmpi sge, %add3A_87, %ge3A : i32
      %convert_element_type3A = arith.extui %ge3A_98 : i1 to i32
      %cond3A = arith.constant 0 : i32
      %cond3A_99 = arith.cmpi ne, %convert_element_type3A, %cond3A : i32
      scf.if %cond3A_99 {
        %dma_wait3A_174 = arith.constant 0 : i32
        %dma_wait3A_175 = tpu.memref_slice %arg4[%mul3A_4] : memref<33554432xf32, #tpu.memory_space<hbm>> -> memref<16384xf32, #tpu.memory_space<hbm>>
        %dma_wait3A_176 = tpu.memref_slice %arg13[%dma_wait3A_174] : memref<2x!tpu.dma_semaphore, #tpu.memory_space<semaphore_mem>> -> memref<1x!tpu.dma_semaphore, #tpu.memory_space<semaphore_mem>>
        %dma_wait3A_177 = tpu.memref_squeeze %dma_wait3A_176 : memref<1x!tpu.dma_semaphore, #tpu.memory_space<semaphore_mem>> -> memref<!tpu.dma_semaphore, #tpu.memory_space<semaphore_mem>>
        %dma_wait3A_178 = tpu.memref_slice %arg4[%mul3A_4] : memref<33554432xf32, #tpu.memory_space<hbm>> -> memref<16384xf32, #tpu.memory_space<hbm>>
        tpu.wait_dma2 semaphore(%dma_wait3A_177 : memref<!tpu.dma_semaphore, #tpu.memory_space<semaphore_mem>>) src(%arg9 : memref<16384xf32, #tpu.memory_space<vmem>>) dst(%dma_wait3A_178 : memref<16384xf32, #tpu.memory_space<hbm>>)
      } else {
      }
      %parallel_loop3A = arith.constant 0 : i32
      %parallel_loop3A_100 = arith.constant 1024 : i32
      %parallel_loop3A_101 = arith.constant 1 : i32
      scf.for %parallel_loop3A_174 = %parallel_loop3A to %parallel_loop3A_100 step %parallel_loop3A_101  : i32 {
        %parallel_loop3A_175 = arith.constant 16 : i32
        %parallel_loop3A_176 = arith.muli %parallel_loop3A_174, %parallel_loop3A_175 : i32
        %parallel_loop3A_177 = arith.index_cast %parallel_loop3A_176 : i32 to index
        %parallel_loop3A_178 = tpu.vector_load %arg5[%parallel_loop3A_177] {strides = array<i32>} : memref<16384xf32, #tpu.memory_space<vmem>>, vector<16xf32>,
        %parallel_loop3A_179 = vector.shape_cast %parallel_loop3A_178 : vector<16xf32> to vector<16xf32>
        %parallel_loop3A_180 = arith.index_cast %parallel_loop3A_176 : i32 to index
        %parallel_loop3A_181 = tpu.vector_load %arg7[%parallel_loop3A_180] {strides = array<i32>} : memref<16384xf32, #tpu.memory_space<vmem>>, vector<16xf32>,
        %parallel_loop3A_182 = vector.shape_cast %parallel_loop3A_181 : vector<16xf32> to vector<16xf32>
        %parallel_loop3A_183 = arith.addf %parallel_loop3A_179, %parallel_loop3A_182 : vector<16xf32>
        %parallel_loop3A_184 = arith.index_cast %parallel_loop3A_176 : i32 to index
        %parallel_loop3A_185 = tpu.vector_load %arg9[%parallel_loop3A_184] {strides = array<i32>} : memref<16384xf32, #tpu.memory_space<vmem>>, vector<16xf32>,
        %parallel_loop3A_186 = vector.shape_cast %parallel_loop3A_185 : vector<16xf32> to vector<16xf32>
        %parallel_loop3A_187 = vector.shape_cast %parallel_loop3A_183 : vector<16xf32> to vector<16xf32>
        tpu.vector_store %arg9[%parallel_loop3A_184], %parallel_loop3A_187 {strides = array<i32>} : memref<16384xf32, #tpu.memory_space<vmem>>, vector<16xf32>,
      } {sc.loop_unroll_factor = 8 : i64, sc.parallel_access}
      %mul3A_102 = arith.constant 16384 : i32
      %mul3A_103 = arith.muli %add3A_87, %mul3A_102 : i32
      %add3A_104 = arith.addi %mul3A_4, %mul3A_103 : i32
      %dma_start3A_105 = arith.constant 0 : i32
      %dma_start3A_106 = tpu.memref_slice %arg4[%add3A_104] : memref<33554432xf32, #tpu.memory_space<hbm>> -> memref<16384xf32, #tpu.memory_space<hbm>>
      %dma_start3A_107 = tpu.memref_slice %arg13[%dma_start3A_105] : memref<2x!tpu.dma_semaphore, #tpu.memory_space<semaphore_mem>> -> memref<1x!tpu.dma_semaphore, #tpu.memory_space<semaphore_mem>>
      %dma_start3A_108 = tpu.memref_squeeze %dma_start3A_107 : memref<1x!tpu.dma_semaphore, #tpu.memory_space<semaphore_mem>> -> memref<!tpu.dma_semaphore, #tpu.memory_space<semaphore_mem>>
      %dma_start3A_109 = tpu.memref_slice %arg4[%add3A_104] : memref<33554432xf32, #tpu.memory_space<hbm>> -> memref<16384xf32, #tpu.memory_space<hbm>>
      tpu.enqueue_dma source(%arg9 : memref<16384xf32, #tpu.memory_space<vmem>>) target(%dma_start3A_109 : memref<16384xf32, #tpu.memory_space<hbm>>) target_semaphore(%dma_start3A_108 : memref<!tpu.dma_semaphore, #tpu.memory_space<semaphore_mem>>)
      %add3A_110 = arith.constant 2 : i32
      %add3A_111 = arith.addi %add3A_87, %add3A_110 : i32
      %mul3A_112 = arith.constant 16384 : i32
      %mul3A_113 = arith.muli %add3A_111, %mul3A_112 : i32
      %min3A_114 = arith.constant 1032192 : i32
      %min3A_115 = arith.minsi %mul3A_113, %min3A_114 : i32
      %add3A_116 = arith.addi %mul3A_4, %min3A_115 : i32
      %dma_start3A_117 = arith.constant 0 : i32
      %dma_start3A_118 = tpu.memref_slice %arg2[%add3A_116] : memref<33554432xf32, #tpu.memory_space<hbm>> -> memref<16384xf32, #tpu.memory_space<hbm>>
      %dma_start3A_119 = tpu.memref_slice %arg11[%dma_start3A_117] : memref<2x!tpu.dma_semaphore, #tpu.memory_space<semaphore_mem>> -> memref<1x!tpu.dma_semaphore, #tpu.memory_space<semaphore_mem>>
      %dma_start3A_120 = tpu.memref_squeeze %dma_start3A_119 : memref<1x!tpu.dma_semaphore, #tpu.memory_space<semaphore_mem>> -> memref<!tpu.dma_semaphore, #tpu.memory_space<semaphore_mem>>
      %dma_start3A_121 = tpu.memref_slice %arg2[%add3A_116] : memref<33554432xf32, #tpu.memory_space<hbm>> -> memref<16384xf32, #tpu.memory_space<hbm>>
      tpu.enqueue_dma source(%dma_start3A_121 : memref<16384xf32, #tpu.memory_space<hbm>>) target(%arg5 : memref<16384xf32, #tpu.memory_space<vmem>>) target_semaphore(%dma_start3A_120 : memref<!tpu.dma_semaphore, #tpu.memory_space<semaphore_mem>>)
      %add3A_122 = arith.addi %mul3A_15, %min3A_115 : i32
      %dma_start3A_123 = arith.constant 0 : i32
      %dma_start3A_124 = tpu.memref_slice %arg3[%add3A_122] : memref<8388608xf32, #tpu.memory_space<hbm>> -> memref<16384xf32, #tpu.memory_space<hbm>>
      %dma_start3A_125 = tpu.memref_slice %arg12[%dma_start3A_123] : memref<2x!tpu.dma_semaphore, #tpu.memory_space<semaphore_mem>> -> memref<1x!tpu.dma_semaphore, #tpu.memory_space<semaphore_mem>>
      %dma_start3A_126 = tpu.memref_squeeze %dma_start3A_125 : memref<1x!tpu.dma_semaphore, #tpu.memory_space<semaphore_mem>> -> memref<!tpu.dma_semaphore, #tpu.memory_space<semaphore_mem>>
      %dma_start3A_127 = tpu.memref_slice %arg3[%add3A_122] : memref<8388608xf32, #tpu.memory_space<hbm>> -> memref<16384xf32, #tpu.memory_space<hbm>>
      tpu.enqueue_dma source(%dma_start3A_127 : memref<16384xf32, #tpu.memory_space<hbm>>) target(%arg7 : memref<16384xf32, #tpu.memory_space<vmem>>) target_semaphore(%dma_start3A_126 : memref<!tpu.dma_semaphore, #tpu.memory_space<semaphore_mem>>)
      %add3A_128 = arith.constant 1 : i32
      %add3A_129 = arith.addi %add3A_85, %add3A_128 : i32
      %dma_wait3A_130 = arith.constant 1 : i32
      %dma_wait3A_131 = tpu.memref_slice %arg2[%mul3A_4] : memref<33554432xf32, #tpu.memory_space<hbm>> -> memref<16384xf32, #tpu.memory_space<hbm>>
      %dma_wait3A_132 = tpu.memref_slice %arg11[%dma_wait3A_130] : memref<2x!tpu.dma_semaphore, #tpu.memory_space<semaphore_mem>> -> memref<1x!tpu.dma_semaphore, #tpu.memory_space<semaphore_mem>>
      %dma_wait3A_133 = tpu.memref_squeeze %dma_wait3A_132 : memref<1x!tpu.dma_semaphore, #tpu.memory_space<semaphore_mem>> -> memref<!tpu.dma_semaphore, #tpu.memory_space<semaphore_mem>>
      %dma_wait3A_134 = tpu.memref_slice %arg2[%mul3A_4] : memref<33554432xf32, #tpu.memory_space<hbm>> -> memref<16384xf32, #tpu.memory_space<hbm>>
      tpu.wait_dma2 semaphore(%dma_wait3A_133 : memref<!tpu.dma_semaphore, #tpu.memory_space<semaphore_mem>>) src(%dma_wait3A_134 : memref<16384xf32, #tpu.memory_space<hbm>>) dst(%arg6 : memref<16384xf32, #tpu.memory_space<vmem>>)
      %dma_wait3A_135 = arith.constant 1 : i32
      %dma_wait3A_136 = tpu.memref_slice %arg3[%mul3A_15] : memref<8388608xf32, #tpu.memory_space<hbm>> -> memref<16384xf32, #tpu.memory_space<hbm>>
      %dma_wait3A_137 = tpu.memref_slice %arg12[%dma_wait3A_135] : memref<2x!tpu.dma_semaphore, #tpu.memory_space<semaphore_mem>> -> memref<1x!tpu.dma_semaphore, #tpu.memory_space<semaphore_mem>>
      %dma_wait3A_138 = tpu.memref_squeeze %dma_wait3A_137 : memref<1x!tpu.dma_semaphore, #tpu.memory_space<semaphore_mem>> -> memref<!tpu.dma_semaphore, #tpu.memory_space<semaphore_mem>>
      %dma_wait3A_139 = tpu.memref_slice %arg3[%mul3A_15] : memref<8388608xf32, #tpu.memory_space<hbm>> -> memref<16384xf32, #tpu.memory_space<hbm>>
      tpu.wait_dma2 semaphore(%dma_wait3A_138 : memref<!tpu.dma_semaphore, #tpu.memory_space<semaphore_mem>>) src(%dma_wait3A_139 : memref<16384xf32, #tpu.memory_space<hbm>>) dst(%arg8 : memref<16384xf32, #tpu.memory_space<vmem>>)
      %ge3A_140 = arith.constant 2 : i32
      %ge3A_141 = arith.cmpi sge, %add3A_129, %ge3A_140 : i32
      %convert_element_type3A_142 = arith.extui %ge3A_141 : i1 to i32
      %cond3A_143 = arith.constant 0 : i32
      %cond3A_144 = arith.cmpi ne, %convert_element_type3A_142, %cond3A_143 : i32
      scf.if %cond3A_144 {
        %dma_wait3A_174 = arith.constant 1 : i32
        %dma_wait3A_175 = tpu.memref_slice %arg4[%mul3A_4] : memref<33554432xf32, #tpu.memory_space<hbm>> -> memref<16384xf32, #tpu.memory_space<hbm>>
        %dma_wait3A_176 = tpu.memref_slice %arg13[%dma_wait3A_174] : memref<2x!tpu.dma_semaphore, #tpu.memory_space<semaphore_mem>> -> memref<1x!tpu.dma_semaphore, #tpu.memory_space<semaphore_mem>>
        %dma_wait3A_177 = tpu.memref_squeeze %dma_wait3A_176 : memref<1x!tpu.dma_semaphore, #tpu.memory_space<semaphore_mem>> -> memref<!tpu.dma_semaphore, #tpu.memory_space<semaphore_mem>>
        %dma_wait3A_178 = tpu.memref_slice %arg4[%mul3A_4] : memref<33554432xf32, #tpu.memory_space<hbm>> -> memref<16384xf32, #tpu.memory_space<hbm>>
        tpu.wait_dma2 semaphore(%dma_wait3A_177 : memref<!tpu.dma_semaphore, #tpu.memory_space<semaphore_mem>>) src(%arg10 : memref<16384xf32, #tpu.memory_space<vmem>>) dst(%dma_wait3A_178 : memref<16384xf32, #tpu.memory_space<hbm>>)
      } else {
      }
      %parallel_loop3A_145 = arith.constant 0 : i32
      %parallel_loop3A_146 = arith.constant 1024 : i32
      %parallel_loop3A_147 = arith.constant 1 : i32
      scf.for %parallel_loop3A_174 = %parallel_loop3A_145 to %parallel_loop3A_146 step %parallel_loop3A_147  : i32 {
        %parallel_loop3A_175 = arith.constant 16 : i32
        %parallel_loop3A_176 = arith.muli %parallel_loop3A_174, %parallel_loop3A_175 : i32
        %parallel_loop3A_177 = arith.index_cast %parallel_loop3A_176 : i32 to index
        %parallel_loop3A_178 = tpu.vector_load %arg6[%parallel_loop3A_177] {strides = array<i32>} : memref<16384xf32, #tpu.memory_space<vmem>>, vector<16xf32>,
        %parallel_loop3A_179 = vector.shape_cast %parallel_loop3A_178 : vector<16xf32> to vector<16xf32>
        %parallel_loop3A_180 = arith.index_cast %parallel_loop3A_176 : i32 to index
        %parallel_loop3A_181 = tpu.vector_load %arg8[%parallel_loop3A_180] {strides = array<i32>} : memref<16384xf32, #tpu.memory_space<vmem>>, vector<16xf32>,
        %parallel_loop3A_182 = vector.shape_cast %parallel_loop3A_181 : vector<16xf32> to vector<16xf32>
        %parallel_loop3A_183 = arith.addf %parallel_loop3A_179, %parallel_loop3A_182 : vector<16xf32>
        %parallel_loop3A_184 = arith.index_cast %parallel_loop3A_176 : i32 to index
        %parallel_loop3A_185 = tpu.vector_load %arg10[%parallel_loop3A_184] {strides = array<i32>} : memref<16384xf32, #tpu.memory_space<vmem>>, vector<16xf32>,
        %parallel_loop3A_186 = vector.shape_cast %parallel_loop3A_185 : vector<16xf32> to vector<16xf32>
        %parallel_loop3A_187 = vector.shape_cast %parallel_loop3A_183 : vector<16xf32> to vector<16xf32>
        tpu.vector_store %arg10[%parallel_loop3A_184], %parallel_loop3A_187 {strides = array<i32>} : memref<16384xf32, #tpu.memory_space<vmem>>, vector<16xf32>,
      } {sc.loop_unroll_factor = 8 : i64, sc.parallel_access}
      %mul3A_148 = arith.constant 16384 : i32
      %mul3A_149 = arith.muli %add3A_129, %mul3A_148 : i32
      %add3A_150 = arith.addi %mul3A_4, %mul3A_149 : i32
      %dma_start3A_151 = arith.constant 1 : i32
      %dma_start3A_152 = tpu.memref_slice %arg4[%add3A_150] : memref<33554432xf32, #tpu.memory_space<hbm>> -> memref<16384xf32, #tpu.memory_space<hbm>>
      %dma_start3A_153 = tpu.memref_slice %arg13[%dma_start3A_151] : memref<2x!tpu.dma_semaphore, #tpu.memory_space<semaphore_mem>> -> memref<1x!tpu.dma_semaphore, #tpu.memory_space<semaphore_mem>>
      %dma_start3A_154 = tpu.memref_squeeze %dma_start3A_153 : memref<1x!tpu.dma_semaphore, #tpu.memory_space<semaphore_mem>> -> memref<!tpu.dma_semaphore, #tpu.memory_space<semaphore_mem>>
      %dma_start3A_155 = tpu.memref_slice %arg4[%add3A_150] : memref<33554432xf32, #tpu.memory_space<hbm>> -> memref<16384xf32, #tpu.memory_space<hbm>>
      tpu.enqueue_dma source(%arg10 : memref<16384xf32, #tpu.memory_space<vmem>>) target(%dma_start3A_155 : memref<16384xf32, #tpu.memory_space<hbm>>) target_semaphore(%dma_start3A_154 : memref<!tpu.dma_semaphore, #tpu.memory_space<semaphore_mem>>)
      %add3A_156 = arith.constant 2 : i32
      %add3A_157 = arith.addi %add3A_129, %add3A_156 : i32
      %mul3A_158 = arith.constant 16384 : i32
      %mul3A_159 = arith.muli %add3A_157, %mul3A_158 : i32
      %min3A_160 = arith.constant 1032192 : i32
      %min3A_161 = arith.minsi %mul3A_159, %min3A_160 : i32
      %add3A_162 = arith.addi %mul3A_4, %min3A_161 : i32
      %dma_start3A_163 = arith.constant 1 : i32
      %dma_start3A_164 = tpu.memref_slice %arg2[%add3A_162] : memref<33554432xf32, #tpu.memory_space<hbm>> -> memref<16384xf32, #tpu.memory_space<hbm>>
      %dma_start3A_165 = tpu.memref_slice %arg11[%dma_start3A_163] : memref<2x!tpu.dma_semaphore, #tpu.memory_space<semaphore_mem>> -> memref<1x!tpu.dma_semaphore, #tpu.memory_space<semaphore_mem>>
      %dma_start3A_166 = tpu.memref_squeeze %dma_start3A_165 : memref<1x!tpu.dma_semaphore, #tpu.memory_space<semaphore_mem>> -> memref<!tpu.dma_semaphore, #tpu.memory_space<semaphore_mem>>
      %dma_start3A_167 = tpu.memref_slice %arg2[%add3A_162] : memref<33554432xf32, #tpu.memory_space<hbm>> -> memref<16384xf32, #tpu.memory_space<hbm>>
      tpu.enqueue_dma source(%dma_start3A_167 : memref<16384xf32, #tpu.memory_space<hbm>>) target(%arg6 : memref<16384xf32, #tpu.memory_space<vmem>>) target_semaphore(%dma_start3A_166 : memref<!tpu.dma_semaphore, #tpu.memory_space<semaphore_mem>>)
      %add3A_168 = arith.addi %mul3A_15, %min3A_161 : i32
      %dma_start3A_169 = arith.constant 1 : i32
      %dma_start3A_170 = tpu.memref_slice %arg3[%add3A_168] : memref<8388608xf32, #tpu.memory_space<hbm>> -> memref<16384xf32, #tpu.memory_space<hbm>>
      %dma_start3A_171 = tpu.memref_slice %arg12[%dma_start3A_169] : memref<2x!tpu.dma_semaphore, #tpu.memory_space<semaphore_mem>> -> memref<1x!tpu.dma_semaphore, #tpu.memory_space<semaphore_mem>>
      %dma_start3A_172 = tpu.memref_squeeze %dma_start3A_171 : memref<1x!tpu.dma_semaphore, #tpu.memory_space<semaphore_mem>> -> memref<!tpu.dma_semaphore, #tpu.memory_space<semaphore_mem>>
      %dma_start3A_173 = tpu.memref_slice %arg3[%add3A_168] : memref<8388608xf32, #tpu.memory_space<hbm>> -> memref<16384xf32, #tpu.memory_space<hbm>>
      tpu.enqueue_dma source(%dma_start3A_173 : memref<16384xf32, #tpu.memory_space<hbm>>) target(%arg8 : memref<16384xf32, #tpu.memory_space<vmem>>) target_semaphore(%dma_start3A_172 : memref<!tpu.dma_semaphore, #tpu.memory_space<semaphore_mem>>)
    }
    %scan3A_51 = arith.constant 32 : i32
    %dma_wait3A = arith.constant 0 : i32
    %dma_wait3A_52 = tpu.memref_slice %arg2[%mul3A_4] : memref<33554432xf32, #tpu.memory_space<hbm>> -> memref<16384xf32, #tpu.memory_space<hbm>>
    %dma_wait3A_53 = tpu.memref_slice %arg11[%dma_wait3A] : memref<2x!tpu.dma_semaphore, #tpu.memory_space<semaphore_mem>> -> memref<1x!tpu.dma_semaphore, #tpu.memory_space<semaphore_mem>>
    %dma_wait3A_54 = tpu.memref_squeeze %dma_wait3A_53 : memref<1x!tpu.dma_semaphore, #tpu.memory_space<semaphore_mem>> -> memref<!tpu.dma_semaphore, #tpu.memory_space<semaphore_mem>>
    %dma_wait3A_55 = tpu.memref_slice %arg2[%mul3A_4] : memref<33554432xf32, #tpu.memory_space<hbm>> -> memref<16384xf32, #tpu.memory_space<hbm>>
    tpu.wait_dma2 semaphore(%dma_wait3A_54 : memref<!tpu.dma_semaphore, #tpu.memory_space<semaphore_mem>>) src(%dma_wait3A_55 : memref<16384xf32, #tpu.memory_space<hbm>>) dst(%arg5 : memref<16384xf32, #tpu.memory_space<vmem>>)
    %dma_wait3A_56 = arith.constant 0 : i32
    %dma_wait3A_57 = tpu.memref_slice %arg3[%mul3A_15] : memref<8388608xf32, #tpu.memory_space<hbm>> -> memref<16384xf32, #tpu.memory_space<hbm>>
    %dma_wait3A_58 = tpu.memref_slice %arg12[%dma_wait3A_56] : memref<2x!tpu.dma_semaphore, #tpu.memory_space<semaphore_mem>> -> memref<1x!tpu.dma_semaphore, #tpu.memory_space<semaphore_mem>>
    %dma_wait3A_59 = tpu.memref_squeeze %dma_wait3A_58 : memref<1x!tpu.dma_semaphore, #tpu.memory_space<semaphore_mem>> -> memref<!tpu.dma_semaphore, #tpu.memory_space<semaphore_mem>>
    %dma_wait3A_60 = tpu.memref_slice %arg3[%mul3A_15] : memref<8388608xf32, #tpu.memory_space<hbm>> -> memref<16384xf32, #tpu.memory_space<hbm>>
    tpu.wait_dma2 semaphore(%dma_wait3A_59 : memref<!tpu.dma_semaphore, #tpu.memory_space<semaphore_mem>>) src(%dma_wait3A_60 : memref<16384xf32, #tpu.memory_space<hbm>>) dst(%arg7 : memref<16384xf32, #tpu.memory_space<vmem>>)
    %dma_wait3A_61 = arith.constant 0 : i32
    %dma_wait3A_62 = tpu.memref_slice %arg4[%mul3A_4] : memref<33554432xf32, #tpu.memory_space<hbm>> -> memref<16384xf32, #tpu.memory_space<hbm>>
    %dma_wait3A_63 = tpu.memref_slice %arg13[%dma_wait3A_61] : memref<2x!tpu.dma_semaphore, #tpu.memory_space<semaphore_mem>> -> memref<1x!tpu.dma_semaphore, #tpu.memory_space<semaphore_mem>>
    %dma_wait3A_64 = tpu.memref_squeeze %dma_wait3A_63 : memref<1x!tpu.dma_semaphore, #tpu.memory_space<semaphore_mem>> -> memref<!tpu.dma_semaphore, #tpu.memory_space<semaphore_mem>>
    %dma_wait3A_65 = tpu.memref_slice %arg4[%mul3A_4] : memref<33554432xf32, #tpu.memory_space<hbm>> -> memref<16384xf32, #tpu.memory_space<hbm>>
    tpu.wait_dma2 semaphore(%dma_wait3A_64 : memref<!tpu.dma_semaphore, #tpu.memory_space<semaphore_mem>>) src(%arg9 : memref<16384xf32, #tpu.memory_space<vmem>>) dst(%dma_wait3A_65 : memref<16384xf32, #tpu.memory_space<hbm>>)
    %dma_wait3A_66 = arith.constant 1 : i32
    %dma_wait3A_67 = tpu.memref_slice %arg2[%mul3A_4] : memref<33554432xf32, #tpu.memory_space<hbm>> -> memref<16384xf32, #tpu.memory_space<hbm>>
    %dma_wait3A_68 = tpu.memref_slice %arg11[%dma_wait3A_66] : memref<2x!tpu.dma_semaphore, #tpu.memory_space<semaphore_mem>> -> memref<1x!tpu.dma_semaphore, #tpu.memory_space<semaphore_mem>>
    %dma_wait3A_69 = tpu.memref_squeeze %dma_wait3A_68 : memref<1x!tpu.dma_semaphore, #tpu.memory_space<semaphore_mem>> -> memref<!tpu.dma_semaphore, #tpu.memory_space<semaphore_mem>>
    %dma_wait3A_70 = tpu.memref_slice %arg2[%mul3A_4] : memref<33554432xf32, #tpu.memory_space<hbm>> -> memref<16384xf32, #tpu.memory_space<hbm>>
    tpu.wait_dma2 semaphore(%dma_wait3A_69 : memref<!tpu.dma_semaphore, #tpu.memory_space<semaphore_mem>>) src(%dma_wait3A_70 : memref<16384xf32, #tpu.memory_space<hbm>>) dst(%arg6 : memref<16384xf32, #tpu.memory_space<vmem>>)
    %dma_wait3A_71 = arith.constant 1 : i32
    %dma_wait3A_72 = tpu.memref_slice %arg3[%mul3A_15] : memref<8388608xf32, #tpu.memory_space<hbm>> -> memref<16384xf32, #tpu.memory_space<hbm>>
    %dma_wait3A_73 = tpu.memref_slice %arg12[%dma_wait3A_71] : memref<2x!tpu.dma_semaphore, #tpu.memory_space<semaphore_mem>> -> memref<1x!tpu.dma_semaphore, #tpu.memory_space<semaphore_mem>>
    %dma_wait3A_74 = tpu.memref_squeeze %dma_wait3A_73 : memref<1x!tpu.dma_semaphore, #tpu.memory_space<semaphore_mem>> -> memref<!tpu.dma_semaphore, #tpu.memory_space<semaphore_mem>>
    %dma_wait3A_75 = tpu.memref_slice %arg3[%mul3A_15] : memref<8388608xf32, #tpu.memory_space<hbm>> -> memref<16384xf32, #tpu.memory_space<hbm>>
    tpu.wait_dma2 semaphore(%dma_wait3A_74 : memref<!tpu.dma_semaphore, #tpu.memory_space<semaphore_mem>>) src(%dma_wait3A_75 : memref<16384xf32, #tpu.memory_space<hbm>>) dst(%arg8 : memref<16384xf32, #tpu.memory_space<vmem>>)
    %dma_wait3A_76 = arith.constant 1 : i32
    %dma_wait3A_77 = tpu.memref_slice %arg4[%mul3A_4] : memref<33554432xf32, #tpu.memory_space<hbm>> -> memref<16384xf32, #tpu.memory_space<hbm>>
    %dma_wait3A_78 = tpu.memref_slice %arg13[%dma_wait3A_76] : memref<2x!tpu.dma_semaphore, #tpu.memory_space<semaphore_mem>> -> memref<1x!tpu.dma_semaphore, #tpu.memory_space<semaphore_mem>>
    %dma_wait3A_79 = tpu.memref_squeeze %dma_wait3A_78 : memref<1x!tpu.dma_semaphore, #tpu.memory_space<semaphore_mem>> -> memref<!tpu.dma_semaphore, #tpu.memory_space<semaphore_mem>>
    %dma_wait3A_80 = tpu.memref_slice %arg4[%mul3A_4] : memref<33554432xf32, #tpu.memory_space<hbm>> -> memref<16384xf32, #tpu.memory_space<hbm>>
    tpu.wait_dma2 semaphore(%dma_wait3A_79 : memref<!tpu.dma_semaphore, #tpu.memory_space<semaphore_mem>>) src(%arg10 : memref<16384xf32, #tpu.memory_space<vmem>>) dst(%dma_wait3A_80 : memref<16384xf32, #tpu.memory_space<hbm>>)
    return
  }
}

</mosaic_0001>

<sc_bundles>
// kernel: kernel.3.cloned.1.call-start
scs
__scs_entry_jumppad:
0x0: {  	(pc) =	sbr.rel $0x88, $3  }
0x1: {  	(tag) =	ssettag $0x0;
	lr =	simm.s32 $0x1  }
0x2: {  	[smem:$0x3F9F] =	sst lr;
	_ =	strace $0xD0000000  }
0x3: {  	_ = 	snop  }
0x4: {  	_ = 	snop  }
0x5: {  	_ = 	snop  }
0x6: {  	_ = 	snop  }
0x7: {  	_ = 	snop  }
__scs_overlays_trampoline_lowered:
0x8: {  	[smem:$0x3FAE] =	sst s0  }
0x9: {  	[smem:$0x3FAF] =	sst s1  }
0xa: {  	[smem:$0x3FB0] =	sst s2  }
0xb: {  	[smem:$0x3FB1] =	sst s3  }
0xc: {  	[smem:$0x3FB2] =	sst s4  }
0xd: {  	[smem:$0x3FB3] =	sst s5  }
0xe: {  	[smem:$0x3FB4] =	sst s6  }
0xf: {  	[smem:$0x3FB5] =	sst s7  }
0x10: {  	[smem:$0x3FB6] =	sst s8  }
0x11: {  	[smem:$0x3FB7] =	sst s9;
	s0 =	simm.s32 @!p0 $0x0  }
0x12: {  	s1 =	sld [smem:$0x3F9D];
	s0 =	simm.s32 @p0 $0x1  }
0x13: {  	[smem:$0x3FB8] =	sst s0;
	s0 =	simm.s32 @!p1 $0x0  }
0x14: {  	s2 =	sld [smem:$0x3F9C];
	s0 =	simm.s32 @p1 $0x1  }
0x15: {  	[smem:$0x3FB9] =	sst s0;
	s0 =	simm.s32 @!p2 $0x0  }
0x16: {  	s3 =	sld [smem:$0x3FDB];
	s0 =	simm.s32 @p2 $0x1  }
0x17: {  	s4 =	simm.s32 $0x1BF5;
	[smem:$0x3FBB] =	sst s0  }
0x18: {  	s0 =	sld [smem:$0x3F9E];
	_ =	swait.ge [sflag:s4], $0x0  }
0x19: {  	s7 =	sld [smem:$0x3F9F]  }
0x1a: {  	s8 =	sadd.s32 $0xFFFFE003, lr  }
0x1b: {  	s9 =	sadd.s32 $0xFFFFFEF7, lr;
	s5 =	simm.s32 $0xFFFFFFFF;
	p2 =	slt.u32 s8, $0xFFFFF086  }
0x1c: {  	p1 =	slt.u32 s9, $0xF7A;
	s5 =	simm.s32 @!p2 $0x0  }
0x1d: {  	s5 =	simm.s32 @p1 $0x1;
	p0 =	seq.s32 s7, s2  }
0x1e: {  	s7 =	smul.u32 @!p0 $0xF7A, s2;
	p2 =	seq.s32 @!p0 s5, $0x0  }
0x1f: {  	s9 =	smul.u32 $0xF7A, s1;
	s8 =	simm.s32 @!p0 $0x1BF5;
	p2 =	por !p2, p0  }
0x20: {  	[sflag:s8] =	ssyncset.s32 @!p0 $0xFFFFF086;
	s6 =	sadd.s32 @!p0 s3, s7;
	s7 =	simm.s32 @!p0 $0x108  }
0x21: {  	s3 =	sadd.s32 s3, s9;
	s6 =	sadd.s32 @!p0 $0x88, s6;
	s7 =	simm.s32 @p2 $0x1082  }
0x22: {  	[simem:s7], [sflag:s8] =	dma.local @!p0 [hbm:s6], $0xF7A  }
0x23: {  	s9 =	sor.u32 $0xD0000000, s2;
	s6 =	simm.s32 $0x108;
	_ =	swait.ge @!p0 [sflag:s8], $0x0  }
0x24: {  	s3 =	sadd.s32 $0x88, s3;
	s6 =	simm.s32 @!p1 $0x1082;
	[sflag:s4] =	ssyncset.s32 $0xFFFFF086  }
0x25: {  	[simem:s6], [sflag:s4] =	dma.local [hbm:s3], $0xF7A  }
0x26: {  	[smem:$0x3F9F] =	sst s1;
	(tag) =	ssettag s2;
	_ =	strace s9  }
0x27: {  	s1 =	sld [smem:$0x3FAF]  }
0x28: {  	s2 =	sld [smem:$0x3FB0]  }
0x29: {  	s4 =	sld [smem:$0x3FB2]  }
0x2a: {  	p0 =	seq.s32 s5, $0x0;
	s5 =	sld [smem:$0x3FB3]  }
0x2b: {  	s6 =	sld [smem:$0x3FB4]  }
0x2c: {  	s7 =	sld [smem:$0x3FB5]  }
0x2d: {  	s3 =	simm.s32 $0x108;
	s8 =	sld [smem:$0x3FB6]  }
0x2e: {  	s3 =	simm.s32 @!p0 $0x1082;
	s9 =	sld [smem:$0x3FB7]  }
0x2f: {  	lr =	sadd.s32 s0, s3;
	s0 =	sld [smem:$0x3FAE]  }
0x30: {  	s3 =	sld [smem:$0x3FB1]  }
0x31: {  	[smem:$0x3FBA] =	sst s10  }
0x32: {  	s10 =	sld [smem:$0x3FB8];
	_ =	sdelay $0x3  }
0x33: {  	p0 =	seq.s32 s10, $0x1;
	s10 =	sld [smem:$0x3FBA];
	_ =	sdelay $0x3  }
0x34: {  	[smem:$0x3FBA] =	sst s10  }
0x35: {  	s10 =	sld [smem:$0x3FB9];
	_ =	sdelay $0x3  }
0x36: {  	p1 =	seq.s32 s10, $0x1;
	s10 =	sld [smem:$0x3FBA];
	_ =	sdelay $0x3  }
0x37: {  	[smem:$0x3FBA] =	sst s10  }
0x38: {  	s10 =	sld [smem:$0x3FBB]  }
0x39: {  	_ = 	snop;
	(pc) =	sbr.ind lr, $3  }
0x3a: {  	_ = 	snop  }
0x3b: {  	_ = 	snop  }
0x3c: {  	p2 =	seq.s32 s10, $0x1;
	s10 =	sld [smem:$0x3FBA]  }
0x3d: {  	_ =	shalt  }
0x3e: {  	_ =	shalt  }
0x3f: {  	_ =	shalt  }
0x40: {  	_ =	shalt  }
0x41: {  	_ =	shalt  }
0x42: {  	_ =	shalt  }
0x43: {  	_ =	shalt  }
0x44: {  	_ =	shalt  }
0x45: {  	_ =	shalt  }
0x46: {  	_ =	shalt  }
0x47: {  	_ =	shalt  }
0x48: {  	_ =	shalt  }
0x49: {  	_ =	shalt  }
0x4a: {  	_ =	shalt  }
0x4b: {  	_ =	shalt  }
0x4c: {  	_ =	shalt  }
0x4d: {  	_ =	shalt  }
0x4e: {  	_ =	shalt  }
0x4f: {  	_ =	shalt  }
0x50: {  	_ =	shalt  }
0x51: {  	_ =	shalt  }
0x52: {  	_ =	shalt  }
0x53: {  	_ =	shalt  }
0x54: {  	_ =	shalt  }
0x55: {  	_ =	shalt  }
0x56: {  	_ =	shalt  }
0x57: {  	_ =	shalt  }
0x58: {  	_ =	shalt  }
0x59: {  	_ =	shalt  }
0x5a: {  	_ =	shalt  }
0x5b: {  	_ =	shalt  }
0x5c: {  	_ =	shalt  }
0x5d: {  	_ =	shalt  }
0x5e: {  	_ =	shalt  }
0x5f: {  	_ =	shalt  }
0x60: {  	_ =	shalt  }
0x61: {  	_ =	shalt  }
0x62: {  	_ =	shalt  }
0x63: {  	_ =	shalt  }
0x64: {  	_ =	shalt  }
0x65: {  	_ =	shalt  }
0x66: {  	_ =	shalt  }
0x67: {  	_ =	shalt  }
0x68: {  	_ =	shalt  }
0x69: {  	_ =	shalt  }
0x6a: {  	_ =	shalt  }
0x6b: {  	_ =	shalt  }
0x6c: {  	_ =	shalt  }
0x6d: {  	_ =	shalt  }
0x6e: {  	_ =	shalt  }
0x6f: {  	_ =	shalt  }
0x70: {  	_ =	shalt  }
0x71: {  	_ =	shalt  }
0x72: {  	_ =	shalt  }
0x73: {  	_ =	shalt  }
0x74: {  	_ =	shalt  }
0x75: {  	_ =	shalt  }
0x76: {  	_ =	shalt  }
0x77: {  	_ =	shalt  }
0x78: {  	_ =	shalt  }
0x79: {  	_ =	shalt  }
0x7a: {  	_ =	shalt  }
0x7b: {  	_ =	shalt  }
0x7c: {  	_ =	shalt  }
0x7d: {  	_ =	shalt  }
0x7e: {  	_ =	shalt  }
0x7f: {  	_ =	shalt  }
0x80: {  	_ =	shalt  }
0x81: {  	_ =	shalt  }
0x82: {  	_ =	shalt  }
0x83: {  	_ =	shalt  }
0x84: {  	_ =	shalt  }
0x85: {  	_ =	shalt  }
0x86: {  	_ =	shalt  }
0x87: {  	_ =	shalt  }
.Lfunc_end0:
.L_simem_size_0:
called_computation.2_lowered:
.L_overlay_start_0:
0x88: {  	s2 =	sld [smem:$0x3FD9]  }
0x89: {  	s3 =	sld [smem:$0x3FFE];
	_ =	sdelay $0x1  }
0x8a: {  	s1 =	srdreg.scid  }
0x8b: {  	s0 =	sand.u32 $0x1, s1  }
0x8c: {  	s17 =	sshll.u32 s0, $0xA;
	s2 =	sadd.s32 s3, s2  }
0x8d: {  	s2 =	sadd.s32 s2, s17  }
0x8e: {  	[smem:$0x3FC6] =	sst s2  }
0x8f: {  	_ = 	snop  }
0x90: {  	s2 =	sld [smem:$0x3FD0];
	(tm) =	ssettm $0x1  }
0x91: {  	s18 =	sld [smem:$0x3FFB];
	_ =	sdelay $0x3  }
0x92: {  	_ =	strace s18  }
0x93: {  	s3 =	sld [smem:$0x3FFC];
	_ =	sdelay $0x3  }
0x94: {  	_ =	strace s3  }
0x95: {  	s3 =	sld [smem:$0x3FFD];
	_ =	sdelay $0x3  }
0x96: {  	_ =	strace s3  }
0x97: {  	_ =	strace $0x8FFFFFFF  }
0x98: {  	s19 =	sld [smem:$0x3FDB];
	_ =	sdelay $0x1  }
0x99: {  	s4 =	simm.s32 $_scs_section_size  }
0x9a: {  	s5 =	simm.s32 $_size__tile_overlayer_lowered;
	s6 =	simm.s32 $_tile_overlayer_lowered  }
0x9b: {  	s22 =	simm.s32 $0x1BFF;
	s21 =	sshll.u32 s6, $0x1;
	s3 =	sadd.s32 s4, s19  }
0x9c: {  	s7 =	simm.s32 $0x0;
	s20 =	sshll.u32 s5, $0x1;
	s5 =	sadd.s32 s21, s3  }
0x9d: {  	[timem:s7], [sflag:s22] =	dma.local [hbm:s5], s20  }
0x9e: {  	_ =	swait.ge [sflag:s22], s20  }
0x9f: {  	s4 =	ssub.s32 $0x0, s20;
	[sflag:s22] =	ssyncset.done $0x0  }
0xa0: {  	[sflag:s22] =	ssyncadd.s32 s4;
	_ =	sdelay $0x1  }
0xa1: {  	s23 =	simm.s32 $0x1B8B  }
0xa2: {  	_ =	swait.ge [sflag:s23], $0x1  }
0xa3: {  	[sflag:s23] =	ssyncset.done $0x0  }
0xa4: {  	s25 =	simm.s32 $0x1B8E;
	s24 =	sld [smem:$0x3FFE];
	[sflag:s23] =	ssyncadd.s32 $0xFFFFFFFF  }
0xa5: {  	s26 =	simm.s32 $execute0_lowered;
	[smem:$0x3FD2] =	sst s25  }
0xa6: {  	s5 =	sshll.u32 s26, $0x1;
	_ =	strace $0x8000004C;
	[dreg:$0x1] =	wrdreg $0xFFFFFFFF  }
0xa7: {  	s28 =	simm.s32 $_size_execute0_lowered;
	s3 =	sadd.s32 s3, s5;
	[dreg:$0x0] =	wrdreg $0x0  }
0xa8: {  	s5 =	sshll.u32 s28, $0x1;
	[dreg:$0x2] =	wrdreg s3  }
0xa9: {  	[dreg:$0x3] =	wrdreg s5  }
0xaa: {  	[dreg:$0x4] =	wrdreg $0xC0  }
0xab: {  	_ =	task [dreg:s7], $0x5FFFF  }
0xac: {  	[dreg:$0x1] =	wrdreg $0xFFFFFFFF  }
0xad: {  	[dreg:$0x0] =	wrdreg $0x60  }
0xae: {  	[dreg:$0x2] =	wrdreg s2  }
0xaf: {  	[dreg:$0x3] =	wrdreg s24  }
0xb0: {  	[dreg:$0x4] =	wrdreg $0x9  }
0xb1: {  	_ =	task.clear_ibuf [dreg:s7], $0x5FFFF;
	_ =	strace $0x9000004C  }
0xb2: {  	s29 =	simm.s32 $0x9;
	_ =	strace $0x8000004E  }
0xb3: {  	_ =	swait.ge [sflag:s29], $0x1  }
0xb4: {  	[sflag:s29] =	ssyncadd.s32 $0xFFFFFFFF  }
0xb5: {  	_ =	strace $0x9000004E  }
0xb6: {  	_ =	sfence  }
0xb7: {  	s30 =	sld [smem:$0x0];
	_ =	sdelay $0x2  }
0xb8: {  	s31 =	sshll.u32 s1, $0xD;
	s1 =	sshrl.u32 s1, $0x2  }
0xb9: {  	s3 =	sand.u32 $0x4000, s31;
	s1 =	sadd.s32 s1, s30  }
0xba: {  	s0 =	sor.u32 s3, s0;
	s1 =	sshll.u32 s1, $0x11  }
0xbb: {  	s0 =	sor.u32 s1, s0  }
0xbc: {  	s0 =	sadd.s32 $0x8F2B, s0  }
0xbd: {  	[sflag:s0] =	ssyncadd.remote.s32 $0x1  }
0xbe: {  	_ =	sfence.sel $0xFFFF  }
0xbf: {  	[dreg:$0x0] =	wrdreg $0xFFFFFFFF;
	(pc) =	sbr.abs _section_cstart, $3  }
0xc0: {  	[dreg:$0x1] =	wrdreg $0xFFFFFFFF  }
0xc1: {  	_ =	task.clear_ibuf [dreg:s7], $0x2FFFF;
	_ =	strace $0x9FFFFFFF  }
0xc2: {  	(tm) =	ssettm $0x7FFFFFFF  }
0xc3: {  	_ =	shalt  }
tec
execute0_lowered:
.L_overlay_start_1:
0x0: {  	(tag) =	ssettag $0x1  }
0x1: {  	s2 =	rddreg [dreg:$0x0]  }
0x2: {  	s0 =	rddreg [dreg:$0x1];
	s4 =	srdreg.scid  }
0x3: {  	s1 =	stileid.u32;
	s3 =	simm.s32 $0x0;
	s13 =	simm.s32 $0x8000  }
0x4: {  	s14 =	simm.s32 $0x4000;
	s15 =	simm.s32 $0xC000;
	s16 =	simm.s32 $0x1  }
0x5: {  	s17 =	simm.s32 $0x3;
	s18 =	simm.s32 $0x10000;
	s19 =	simm.s32 $0x2  }
0x6: {  	s20 =	simm.s32 $0x4;
	s21 =	simm.s32 $0x14000;
	s22 =	simm.s32 $0x5  }
0x7: {  	s23 =	simm.s32 $0x6;
	s7 =	sand.u32 $0x1, s4;
	s30 =	sshll.u32 s1, $0x1  }
0x8: {  	s24 =	simm.s32 $0x0;
	[smem:$0x7FF] =	sst s3;
	s8 =	sor.u32 s7, s30  }
0x9: {  	s4 =	sadd.s32 $0xC00, s0;
	s6 =	sadd.s32 $0x100C00, s0;
	s5 =	sshll.u32 s8, $0x14  }
0xa: {  	_ =	strace $0x8000004D;
	s31 =	ssub.s32 $0x2, s7;
	s7 =	sand.u32 $0x700000, s5  }
0xb: {  	s9 =	sshrl.u32 s31, $0x1;
	s8 =	sshll.u32 s8, $0x11;
	s10 =	sshrl.u32 s7, $0x3  }
0xc: {  	s0 =	ssub.s32 s31, s9;
	s8 =	sadd.s32 s2, s8;
	s9 =	sadd.s32 s4, s10  }
0xd: {  	s12 =	smax.u32 s0, $0x1;
	s10 =	sadd.s32 $0x800, s8;
	s11 =	sadd.s32 $0x800, s9  }
.LBB2_1:
0xe: {  	[tilespmem:s3], [sflag:$0x1] =	stream.linear.gather [hbm4b:s8+s3], $0x4000, $0x38;
	[tilespmem:$0x18000] =	vst v63  }
0xf: {  	_ = 	snop  }
0x10: {  	[tilespmem:s13], [sflag:$0x3] =	stream.linear.gather [hbm4b:s9+s3], $0x4000, $0x38;
	[tilespmem:$0x18000] =	vst v63  }
0x11: {  	_ = 	snop  }
0x12: {  	[tilespmem:s14], [sflag:$0x2] =	stream.linear.gather [hbm4b:s10+s3], $0x4000, $0x38;
	[tilespmem:$0x18000] =	vst v63  }
0x13: {  	s25 =	simm.s32 $0x0  }
0x14: {  	[tilespmem:s15], [sflag:$0x4] =	stream.linear.gather [hbm4b:s11+s3], $0x4000, $0x38;
	[tilespmem:$0x18000] =	vst v63  }
.LBB2_2:
0x15: {  	_ =	swait.ge [sflag:s16], $0x4000  }
0x16: {  	[sflag:s16] =	ssyncset.done $0x0  }
0x17: {  	[sflag:s16] =	ssyncadd.s32 $0xFFFFC000  }
0x18: {  	_ =	swait.ge [sflag:s17], $0x4000  }
0x19: {  	p0 =	seq.s32 s25, $0x0;
	[sflag:s17] =	ssyncset.done $0x0  }
0x1a: {  	s0 =	simm.s32 @!p0 $0x5;
	[sflag:s17] =	ssyncadd.s32 $0xFFFFC000  }
0x1b: {  	_ =	swait.ge @!p0 [sflag:s0], $0x4000  }
0x1c: {  	[sflag:s0] =	ssyncset.done @!p0 $0x0  }
0x1d: {  	s31 =	simm.s32 $0x40;
	[sflag:s0] =	ssyncadd.s32 @!p0 $0xFFFFC000  }
0x1e: {  	s26 =	simm.s32 $0x8040;
	v1 =	vld [tilespmem:s31+$0x30]  }
0x1f: {  	v2 =	vld [tilespmem:s26+$0x30]  }
0x20: {  	v0 =	vld [tilespmem:s26+$0xFFFFFFC0]  }
0x21: {  	v3 =	vld [tilespmem:s31+$0xFFFFFFD0]  }
0x22: {  	v4 =	vld [tilespmem:s26+$0xFFFFFFD0]  }
0x23: {  	v5 =	vld [tilespmem:s31+$0xFFFFFFE0]  }
0x24: {  	v6 =	vld [tilespmem:s26+$0xFFFFFFE0]  }
0x25: {  	v7 =	vld [tilespmem:s31+$0xFFFFFFF0]  }
0x26: {  	v8 =	vld [tilespmem:s26+$0xFFFFFFF0]  }
0x27: {  	v9 =	vld [tilespmem:s31+$0x0]  }
0x28: {  	v10 =	vld [tilespmem:s26+$0x0];
	v2 =	vadd.f32 v2, v1  }
0x29: {  	s29 =	simm.s32 $0x10040;
	v4 =	vadd.f32 v4, v3;
	v1 =	vld [tilespmem:s31+$0x10]  }
0x2a: {  	v5 =	vadd.f32 v6, v5;
	v3 =	vld [tilespmem:s26+$0x10];
	[tilespmem:s29+$0x30] =	vst v2  }
0x2b: {  	v6 =	vadd.f32 v8, v7;
	[tilespmem:s29+$0xFFFFFFD0] =	vst v4;
	v2 =	vld [tilespmem:s31+$0x20]  }
0x2c: {  	[tilespmem:s29+$0xFFFFFFE0] =	vst v5;
	v5 =	vld [tilespmem:s26+$0x20]  }
0x2d: {  	s28 =	simm.s32 $0x0;
	s30 =	simm.s32 $0xC0;
	v4 =	vld [tilespmem:s31+$0xFFFFFFC0];
	[tilespmem:s29+$0xFFFFFFF0] =	vst v6;
	v6 =	vadd.f32 v10, v9  }
.LBB2_3:
0x2e: {  	v7 =	vld [tilespmem:s30+$0x30];
	s26 =	sadd.s32 $0x80, s26  }
0x2f: {  	s28 =	sadd.s32 $0x8, s28;
	v8 =	vld [tilespmem:s26+$0x30];
	[tilespmem:s29+$0x0] =	vst v6;
	v1 =	vadd.f32 v3, v1  }
0x30: {  	p1 =	slt.u32 s28, $0x3F8;
	v3 =	vld [tilespmem:s26+$0xFFFFFFC0]  }
0x31: {  	v6 =	vld [tilespmem:s30+$0xFFFFFFD0];
	[tilespmem:s29+$0x10] =	vst v1;
	v1 =	vadd.f32 v5, v2  }
0x32: {  	v2 =	vld [tilespmem:s26+$0xFFFFFFD0];
	v9 =	vadd.f32 v0, v4  }
0x33: {  	v4 =	vld [tilespmem:s30+$0xFFFFFFE0];
	[tilespmem:s29+$0x20] =	vst v1  }
0x34: {  	v1 =	vld [tilespmem:s26+$0xFFFFFFE0];
	v5 =	vadd.f32 v8, v7;
	[tilespmem:s29+$0xFFFFFFC0] =	vst v9  }
0x35: {  	s29 =	sadd.s32 $0x80, s29;
	v7 =	vld [tilespmem:s30+$0xFFFFFFF0];
	v0 =	vmov v3  }
0x36: {  	v8 =	vld [tilespmem:s26+$0xFFFFFFF0];
	[tilespmem:s29+$0x30] =	vst v5  }
0x37: {  	v2 =	vadd.f32 v2, v6;
	v6 =	vld [tilespmem:s30+$0x0]  }
0x38: {  	v9 =	vld [tilespmem:s26+$0x0]  }
.Ltmp0:
0x39: {  	[tilespmem:s29+$0xFFFFFFD0] =	vst v2;
	v2 =	vadd.f32 v1, v4;
	v1 =	vld [tilespmem:s30+$0x10];
	(pc) =	sbr.rel @p1 .LBB2_3-.Ltmp0, $4  }
0x3a: {  	v3 =	vld [tilespmem:s26+$0x10]  }
0x3b: {  	[tilespmem:s29+$0xFFFFFFE0] =	vst v2;
	v7 =	vadd.f32 v8, v7;
	v2 =	vld [tilespmem:s30+$0x20]  }
0x3c: {  	v5 =	vld [tilespmem:s26+$0x20]  }
0x3d: {  	v4 =	vld [tilespmem:s30+$0xFFFFFFC0];
	[tilespmem:s29+$0xFFFFFFF0] =	vst v7;
	v6 =	vadd.f32 v9, v6;
	s30 =	sadd.s32 $0x80, s30  }
0x3e: {  	_ =	sdelay $0x1  }
0x3f: {  	v1 =	vadd.f32 v3, v1  }
0x40: {  	s26 =	sshll.u32 s25, $0xF;
	[tilespmem:s29+$0x0] =	vst v6;
	v2 =	vadd.f32 v5, v2  }
0x41: {  	s0 =	sor.u32 s5, s26;
	[tilespmem:s29+$0x10] =	vst v1;
	v0 =	vadd.f32 v0, v4  }
0x42: {  	s28 =	sshrl.u32 s0, $0x3;
	[tilespmem:s29+$0x20] =	vst v2  }
0x43: {  	s0 =	sadd.s32 s6, s28;
	[tilespmem:s29+$0xFFFFFFC0] =	vst v0  }
0x44: {  	[hbm4b:s0+s3] =	stream.linear.scatter [tilespmem:s18], [sflag:$0x5], $0x4000, $0x38;
	[tilespmem:$0x18000] =	vst v63  }
0x45: {  	s0 =	smin.u32 s26, $0xF4000  }
0x46: {  	s0 =	sadd.s32 $0x8000, s0  }
0x47: {  	s29 =	sadd.s32 s5, s0  }
0x48: {  	s0 =	sadd.s32 s7, s0;
	s29 =	sshrl.u32 s29, $0x3  }
0x49: {  	s0 =	sshrl.u32 s0, $0x3;
	s29 =	sadd.s32 s2, s29  }
0x4a: {  	[tilespmem:s3], [sflag:$0x1] =	stream.linear.gather [hbm4b:s29+s3], $0x4000, $0x38;
	[tilespmem:$0x18000] =	vst v63  }
0x4b: {  	s0 =	sadd.s32 s4, s0  }
0x4c: {  	[tilespmem:s13], [sflag:$0x3] =	stream.linear.gather [hbm4b:s0+s3], $0x4000, $0x38;
	[tilespmem:$0x18000] =	vst v63  }
0x4d: {  	_ =	swait.ge [sflag:s19], $0x4000  }
0x4e: {  	[sflag:s19] =	ssyncset.done $0x0  }
0x4f: {  	[sflag:s19] =	ssyncadd.s32 $0xFFFFC000  }
0x50: {  	_ =	swait.ge [sflag:s20], $0x4000  }
0x51: {  	[sflag:s20] =	ssyncset.done $0x0  }
0x52: {  	s0 =	simm.s32 @!p0 $0x6;
	[sflag:s20] =	ssyncadd.s32 $0xFFFFC000  }
0x53: {  	_ =	swait.ge @!p0 [sflag:s0], $0x4000  }
0x54: {  	[sflag:s0] =	ssyncset.done @!p0 $0x0  }
0x55: {  	[sflag:s0] =	ssyncadd.s32 @!p0 $0xFFFFC000;
	s0 =	simm.s32 $0x4040  }
0x56: {  	s29 =	simm.s32 $0xC040;
	v1 =	vld [tilespmem:s0+$0x30]  }
0x57: {  	v2 =	vld [tilespmem:s29+$0x30]  }
0x58: {  	v0 =	vld [tilespmem:s29+$0xFFFFFFC0]  }
0x59: {  	v3 =	vld [tilespmem:s0+$0xFFFFFFD0]  }
0x5a: {  	v4 =	vld [tilespmem:s29+$0xFFFFFFD0]  }
0x5b: {  	v5 =	vld [tilespmem:s0+$0xFFFFFFE0]  }
0x5c: {  	v6 =	vld [tilespmem:s29+$0xFFFFFFE0]  }
0x5d: {  	v7 =	vld [tilespmem:s0+$0xFFFFFFF0]  }
0x5e: {  	v8 =	vld [tilespmem:s29+$0xFFFFFFF0]  }
0x5f: {  	v9 =	vld [tilespmem:s0+$0x0]  }
0x60: {  	v10 =	vld [tilespmem:s29+$0x0];
	v2 =	vadd.f32 v2, v1  }
0x61: {  	s30 =	simm.s32 $0x14040;
	v4 =	vadd.f32 v4, v3;
	v1 =	vld [tilespmem:s0+$0x10]  }
0x62: {  	v5 =	vadd.f32 v6, v5;
	v3 =	vld [tilespmem:s29+$0x10];
	[tilespmem:s30+$0x30] =	vst v2  }
0x63: {  	v6 =	vadd.f32 v8, v7;
	[tilespmem:s30+$0xFFFFFFD0] =	vst v4;
	v2 =	vld [tilespmem:s0+$0x20]  }
0x64: {  	[tilespmem:s30+$0xFFFFFFE0] =	vst v5;
	v5 =	vld [tilespmem:s29+$0x20]  }
0x65: {  	s31 =	simm.s32 $0x0;
	v4 =	vld [tilespmem:s0+$0xFFFFFFC0];
	[tilespmem:s30+$0xFFFFFFF0] =	vst v6;
	v6 =	vadd.f32 v10, v9;
	s0 =	simm.s32 $0x40C0  }
.LBB2_5:
0x66: {  	v7 =	vld [tilespmem:s0+$0x30];
	s29 =	sadd.s32 $0x80, s29  }
0x67: {  	s31 =	sadd.s32 $0x8, s31;
	v8 =	vld [tilespmem:s29+$0x30];
	[tilespmem:s30+$0x0] =	vst v6;
	v1 =	vadd.f32 v3, v1  }
0x68: {  	p0 =	slt.u32 s31, $0x3F8;
	v3 =	vld [tilespmem:s29+$0xFFFFFFC0]  }
0x69: {  	v6 =	vld [tilespmem:s0+$0xFFFFFFD0];
	[tilespmem:s30+$0x10] =	vst v1;
	v1 =	vadd.f32 v5, v2  }
0x6a: {  	v2 =	vld [tilespmem:s29+$0xFFFFFFD0];
	v9 =	vadd.f32 v0, v4  }
0x6b: {  	v4 =	vld [tilespmem:s0+$0xFFFFFFE0];
	[tilespmem:s30+$0x20] =	vst v1  }
0x6c: {  	v1 =	vld [tilespmem:s29+$0xFFFFFFE0];
	v5 =	vadd.f32 v8, v7;
	[tilespmem:s30+$0xFFFFFFC0] =	vst v9  }
0x6d: {  	s30 =	sadd.s32 $0x80, s30;
	v7 =	vld [tilespmem:s0+$0xFFFFFFF0];
	v0 =	vmov v3  }
0x6e: {  	v8 =	vld [tilespmem:s29+$0xFFFFFFF0];
	[tilespmem:s30+$0x30] =	vst v5  }
0x6f: {  	v2 =	vadd.f32 v2, v6;
	v6 =	vld [tilespmem:s0+$0x0]  }
0x70: {  	v9 =	vld [tilespmem:s29+$0x0]  }
.Ltmp1:
0x71: {  	[tilespmem:s30+$0xFFFFFFD0] =	vst v2;
	v2 =	vadd.f32 v1, v4;
	v1 =	vld [tilespmem:s0+$0x10];
	(pc) =	sbr.rel @p0 .LBB2_5-.Ltmp1, $4  }
0x72: {  	v3 =	vld [tilespmem:s29+$0x10]  }
0x73: {  	[tilespmem:s30+$0xFFFFFFE0] =	vst v2;
	v7 =	vadd.f32 v8, v7;
	v2 =	vld [tilespmem:s0+$0x20]  }
0x74: {  	v5 =	vld [tilespmem:s29+$0x20]  }
0x75: {  	v4 =	vld [tilespmem:s0+$0xFFFFFFC0];
	[tilespmem:s30+$0xFFFFFFF0] =	vst v7;
	v6 =	vadd.f32 v9, v6;
	s0 =	sadd.s32 $0x80, s0  }
0x76: {  	_ =	sdelay $0x1  }
0x77: {  	v1 =	vadd.f32 v3, v1  }
0x78: {  	[tilespmem:s30+$0x0] =	vst v6;
	v2 =	vadd.f32 v5, v2  }
0x79: {  	[tilespmem:s30+$0x10] =	vst v1;
	v0 =	vadd.f32 v0, v4  }
0x7a: {  	s0 =	sadd.s32 s28, s6;
	[tilespmem:s30+$0x20] =	vst v2  }
0x7b: {  	s0 =	sadd.s32 $0x800, s0;
	[tilespmem:s30+$0xFFFFFFC0] =	vst v0;
	s30 =	smin.u32 s26, $0xF0000  }
0x7c: {  	[hbm4b:s0+s3] =	stream.linear.scatter [tilespmem:s21], [sflag:$0x6], $0x4000, $0x38;
	[tilespmem:$0x18000] =	vst v63  }
0x7d: {  	s25 =	sadd.s32 $0x1, s25;
	s0 =	sadd.s32 $0xC000, s30  }
0x7e: {  	p0 =	sne.s32 s25, $0x20;
	s31 =	sadd.s32 s5, s0  }
.Ltmp2:
0x7f: {  	s0 =	sadd.s32 s7, s0;
	s26 =	sshrl.u32 s31, $0x3;
	(pc) =	sbr.rel @p0 .LBB2_2-.Ltmp2, $4  }
0x80: {  	s0 =	sshrl.u32 s0, $0x3;
	s26 =	sadd.s32 s2, s26  }
0x81: {  	[tilespmem:s14], [sflag:$0x2] =	stream.linear.gather [hbm4b:s26+s3], $0x4000, $0x38;
	[tilespmem:$0x18000] =	vst v63  }
0x82: {  	s0 =	sadd.s32 s4, s0  }
0x83: {  	[tilespmem:s15], [sflag:$0x4] =	stream.linear.gather [hbm4b:s0+s3], $0x4000, $0x38;
	[tilespmem:$0x18000] =	vst v63  }
0x84: {  	_ =	swait.ge [sflag:s16], $0x4000  }
0x85: {  	[sflag:s16] =	ssyncset.done $0x0  }
0x86: {  	[sflag:s16] =	ssyncadd.s32 $0xFFFFC000  }
0x87: {  	_ =	swait.ge [sflag:s17], $0x4000  }
0x88: {  	[sflag:s17] =	ssyncset.done $0x0  }
0x89: {  	[sflag:s17] =	ssyncadd.s32 $0xFFFFC000  }
0x8a: {  	_ =	swait.ge [sflag:s22], $0x4000  }
0x8b: {  	[sflag:s22] =	ssyncset.done $0x0  }
0x8c: {  	[sflag:s22] =	ssyncadd.s32 $0xFFFFC000  }
0x8d: {  	_ =	swait.ge [sflag:s19], $0x4000  }
0x8e: {  	[sflag:s19] =	ssyncset.done $0x0  }
0x8f: {  	s24 =	sadd.s32 $0x1, s24;
	[sflag:s19] =	ssyncadd.s32 $0xFFFFC000  }
0x90: {  	p0 =	sne.s32 s24, s12;
	_ =	swait.ge [sflag:s20], $0x4000  }
.Ltmp3:
0x91: {  	[sflag:s20] =	ssyncset.done $0x0;
	(pc) =	sbr.rel @p0 .LBB2_1-.Ltmp3, $4  }
0x92: {  	[sflag:s20] =	ssyncadd.s32 $0xFFFFC000  }
0x93: {  	_ =	swait.ge [sflag:s23], $0x4000  }
0x94: {  	[sflag:s23] =	ssyncset.done $0x0  }
0x95: {  	[sflag:s23] =	ssyncadd.s32 $0xFFFFC000  }
0x96: {  	_ =	sfence.sel $0x180000  }
0x97: {  	[bflag:$0x0] =	sbarrier.arrive $0xFFFF  }
0x98: {  	_ =	strace $0x9000004D  }
0x99: {  	[bflag:$0x2] =	sbarrier.arrive $0xFFFF  }
0x9a: {  	p0 =	sne.s32 s1, $0x0;
	s0 =	rddreg [dreg:$0x2]  }
0x9b: {  	s0 =	sadd.s32 @!p0 $0x100000, s0  }
0x9c: {  	[sflag:s0] =	ssyncadd.tile.s32 @!p0 $0x1;
	_ =	shalt  }
.Lfunc_end2:
_tile_overlayer_lowered:
.L_overlay_start_2:
0x9d: {  	(tag) =	ssettag $0x2  }
0x9e: {  	s0 =	rddreg [dreg:$0x0];
	s2 =	stileid.u32  }
0x9f: {  	s1 =	rddreg [dreg:$0x1];
	p0 =	sne.s32 s2, $0x0  }
0xa0: {  	s3 =	rddreg [dreg:$0x2];
	[bflag:$0x3] =	sbarrier.arrive $0xFFFF;
	s2 =	simm.s32 @!p0 $0x1C07  }
0xa1: {  	[timem:s3], [sflag:s2] =	dma.local @!p0 [hbm:s0], s1  }
0xa2: {  	s0 =	simm.s32 @!p0 $0x7  }
0xa3: {  	_ =	swait.ge @!p0 [sflag:s0], s1  }
0xa4: {  	s1 =	ssub.s32 @!p0 $0x0, s1;
	[sflag:s0] =	ssyncset.done @!p0 $0x0  }
0xa5: {  	[sflag:s0] =	ssyncadd.s32 @!p0 s1  }
0xa6: {  	[bflag:$0x3] =	sbarrier.arrive $0xFFFF  }
0xa7: {  	_ =	shalt  }

// kernel: sparse-core-data-format-call.1.cloned.1.call-start
scs
called_computation.1_lowered:
.L_overlay_start_0:
0x0: {  	s2 =	sld [smem:$0x3FD9]  }
0x1: {  	s3 =	sld [smem:$0x3FFE];
	_ =	sdelay $0x1  }
0x2: {  	s1 =	srdreg.scid  }
0x3: {  	s0 =	sand.u32 $0x1, s1  }
0x4: {  	s19 =	sshll.u32 s0, $0xA;
	s2 =	sadd.s32 s3, s2  }
0x5: {  	s2 =	sadd.s32 s2, s19  }
0x6: {  	[smem:$0x3FC6] =	sst s2  }
0x7: {  	_ = 	snop  }
0x8: {  	s20 =	sld [smem:$0x3FC9]  }
0x9: {  	s4 =	sld [smem:$0x3FD0];
	(tm) =	ssettm $0x1  }
0xa: {  	s21 =	sld [smem:$0x3FFB];
	_ =	sdelay $0x3  }
0xb: {  	_ =	strace s21  }
0xc: {  	s2 =	sld [smem:$0x3FFC];
	_ =	sdelay $0x3  }
0xd: {  	_ =	strace s2  }
0xe: {  	s2 =	sld [smem:$0x3FFD];
	_ =	sdelay $0x3  }
0xf: {  	_ =	strace s2  }
0x10: {  	_ =	strace $0x8FFFFFFF  }
0x11: {  	s22 =	sld [smem:$0x3FDB];
	_ =	sdelay $0x1  }
0x12: {  	s5 =	simm.s32 $_scs_section_size  }
0x13: {  	s6 =	simm.s32 $_size__tile_overlayer_lowered;
	s7 =	simm.s32 $_tile_overlayer_lowered  }
0x14: {  	s8 =	simm.s32 $0x1BFF;
	s23 =	sshll.u32 s7, $0x1;
	s5 =	sadd.s32 s5, s22  }
0x15: {  	s24 =	simm.s32 $0x0;
	s6 =	sshll.u32 s6, $0x1;
	s7 =	sadd.s32 s23, s5  }
0x16: {  	[timem:s24], [sflag:s8] =	dma.local [hbm:s7], s6  }
0x17: {  	_ =	swait.ge [sflag:s8], s6  }
0x18: {  	s6 =	ssub.s32 $0x0, s6;
	[sflag:s8] =	ssyncset.done $0x0  }
0x19: {  	[sflag:s8] =	ssyncadd.s32 s6;
	_ =	sdelay $0x1  }
0x1a: {  	s25 =	simm.s32 $0x1B8B  }
0x1b: {  	_ =	swait.ge [sflag:s25], $0x1  }
0x1c: {  	[sflag:s25] =	ssyncset.done $0x0  }
0x1d: {  	[sflag:s25] =	ssyncadd.s32 $0xFFFFFFFF  }
0x1e: {  	s6 =	sld [smem:$0x0]  }
0x1f: {  	s7 =	sand.u32 $0xFFFFFFFE, s1  }
0x20: {  	p0 =	sne.s32 s1, s7  }
0x21: {  	s7 =	sshll.u32 @p0 s7, $0xE  }
0x22: {  	s7 =	sadd.s32 @p0 $0x11B8D, s7;
	s8 =	sshll.u32 @p0 s6, $0x11  }
0x23: {  	s7 =	sor.u32 @p0 s8, s7  }
0x24: {  	[sflag:s7] =	ssyncadd.remote.s32 @p0 $0x1;
	_ =	sdelay $0x1  }
0x25: {  	s7 =	simm.s32 @p0 $0x1B8D  }
0x26: {  	_ =	swait.eq @p0 [sflag:s7], $0x1  }
0x27: {  	[sflag:s7] =	ssyncadd.s32 @p0 $0xFFFFFFFF  }
0x28: {  	s8 =	sshll.u32 @!p0 s1, $0xE  }
0x29: {  	s8 =	sor.u32 @!p0 $0x4000, s8;
	s7 =	simm.s32 @!p0 $0x1B8D  }
0x2a: {  	s6 =	sshll.u32 @!p0 s6, $0x11;
	s8 =	sadd.s32 @!p0 $0x11B8D, s8;
	_ =	swait.eq @!p0 [sflag:s7], $0x1  }
0x2b: {  	s6 =	sor.u32 @!p0 s6, s8;
	[sflag:s7] =	ssyncadd.s32 @!p0 $0xFFFFFFFF  }
0x2c: {  	s26 =	simm.s32 $0x1B8E;
	[sflag:s6] =	ssyncadd.remote.s32 @!p0 $0x1  }
0x2d: {  	s27 =	simm.s32 $execute0_lowered;
	[smem:$0x3FD2] =	sst s26  }
0x2e: {  	s6 =	sshll.u32 s27, $0x1;
	_ =	strace $0x80000049;
	[dreg:$0x1] =	wrdreg $0xFFFFFFFF  }
0x2f: {  	s28 =	simm.s32 $_size_execute0_lowered;
	s5 =	sadd.s32 s5, s6;
	[dreg:$0x0] =	wrdreg $0x0  }
0x30: {  	s6 =	sshll.u32 s28, $0x1;
	[dreg:$0x2] =	wrdreg s5  }
0x31: {  	[dreg:$0x3] =	wrdreg s6  }
0x32: {  	[dreg:$0x4] =	wrdreg $0xC0  }
0x33: {  	_ =	task [dreg:s24], $0x5FFFF  }
0x34: {  	[dreg:$0x1] =	wrdreg $0xFFFFFFFF  }
0x35: {  	[dreg:$0x0] =	wrdreg $0x60  }
0x36: {  	[dreg:$0x2] =	wrdreg s20  }
0x37: {  	[dreg:$0x3] =	wrdreg s4  }
0x38: {  	[dreg:$0x4] =	wrdreg $0xA  }
0x39: {  	_ =	task.clear_ibuf [dreg:s24], $0x5FFFF;
	_ =	strace $0x90000049  }
0x3a: {  	s29 =	simm.s32 $0xA;
	_ =	strace $0x8000004B  }
0x3b: {  	_ =	swait.ge [sflag:s29], $0x1  }
0x3c: {  	[sflag:s29] =	ssyncadd.s32 $0xFFFFFFFF  }
0x3d: {  	_ =	strace $0x9000004B  }
0x3e: {  	_ =	sfence  }
0x3f: {  	s30 =	sld [smem:$0x0];
	_ =	sdelay $0x2  }
0x40: {  	s31 =	sshll.u32 s1, $0xD;
	s1 =	sshrl.u32 s1, $0x2  }
0x41: {  	s4 =	sand.u32 $0x4000, s31;
	s1 =	sadd.s32 s1, s30  }
0x42: {  	s0 =	sor.u32 s4, s0;
	s1 =	sshll.u32 s1, $0x11  }
0x43: {  	s0 =	sor.u32 s1, s0  }
0x44: {  	s0 =	sadd.s32 $0x8F2B, s0  }
0x45: {  	[sflag:s0] =	ssyncadd.remote.s32 $0x1  }
0x46: {  	_ =	sfence.sel $0xFFFF  }
0x47: {  	[dreg:$0x0] =	wrdreg $0xFFFFFFFF;
	(pc) =	sbr.abs _section_cstart, $3  }
0x48: {  	[dreg:$0x1] =	wrdreg $0xFFFFFFFF  }
0x49: {  	_ =	task.clear_ibuf [dreg:s24], $0x2FFFF;
	_ =	strace $0x9FFFFFFF  }
0x4a: {  	(tm) =	ssettm $0x7FFFFFFF  }
0x4b: {  	_ =	shalt  }
tec
execute0_lowered:
.L_overlay_start_1:
0x0: {  	(tag) =	ssettag $0x1  }
0x1: {  	s0 =	srdreg.scid  }
0x2: {  	s1 =	sshll.u32 s0, $0x4  }
0x3: {  	s2 =	rddreg [dreg:$0x0];
	s0 =	stileid.u32;
	s1 =	sand.u32 $0x10, s1  }
0x4: {  	s4 =	rddreg [dreg:$0x1];
	s1 =	sor.u32 s0, s1  }
0x5: {  	s7 =	simm.s32 $0x1;
	s8 =	simm.s32 $0x2;
	s3 =	sshll.u32 s1, $0x1  }
0x6: {  	s9 =	simm.s32 $0x0;
	s12 =	simm.s32 $0x0;
	s6 =	ssub.s32 $0x1000, s3  }
.Ltmp0:
0x7: {  	s11 =	simm.s32 $0x0;
	s5 =	sand.u32 $0x3E, s6;
	(pc) =	sbr.rel .LBB1_1-.Ltmp0, $4  }
0x8: {  	s1 =	rddreg [dreg:$0x2];
	_ =	strace $0x8000004A;
	p0 =	sne.s32 s5, $0x0  }
0x9: {  	s6 =	sshrl.u32 s6, $0x6;
	s5 =	simm.s32 $0x1;
	s7 =	simm.s32 @!p0 $0x0  }
0xa: {  	s10 =	smov.u32 s3;
	[sflag:s5] =	ssyncpa.u1 $0x0;
	s6 =	sadd.s32 s7, s6  }
0xb: {  	[sflag:s8] =	ssyncpa.u1 $0x0;
	s8 =	simm.s32 $0x0;
	s7 =	sadd.s32 $0x1, s6  }
.LBB1_9:
0xc: {  	s14 =	sadd.s32 $0x40, s10  }
0xd: {  	p1 =	sgt.s32 s14, $0xFFF  }
0xe: {  	s14 =	smov.u32 @p1 s3;
	p1 =	sne.s32 s11, s7  }
.Ltmp1:
0xf: {  	p0 =	slt.u32 s11, $0x2;
	(pc) =	sbr.rel @!p1 .LBB1_10-.Ltmp1, $4  }
0x10: {  	s13 =	simm.s32 @!p0 $0x2  }
0x11: {  	s15 =	sadd.s32 $0x1, s11;
	_ =	swait.ge @!p0 [sflag:s13], $0x4000  }
0x12: {  	s12 =	smov.u32 s10;
	s9 =	sadd.s32 $0x4000, s9;
	[sflag:s13] =	ssyncset.done @!p0 $0x0  }
0x13: {  	s11 =	smov.u32 s15;
	s10 =	smov.u32 s14;
	[sflag:s13] =	ssyncadd.s32 @!p0 $0xFFFFC000  }
.LBB1_1:
0x14: {  	p0 =	sge.u32 s11, s6  }
0x15: {  	s13 =	sxor.u32 @!p0 $0xFFFFFFFF, s11  }
0x16: {  	s31 =	sadd.s32 $0xFFFFFFFF, s11;
	s14 =	sshll.u32 @!p0 s10, $0xA;
	s13 =	sshll.u32 @!p0 s13, $0xE  }
0x17: {  	s15 =	simm.s32 @!p0 $0x0;
	s14 =	sadd.s32 @!p0 s2, s14;
	s13 =	sand.u32 @!p0 $0x4000, s13  }
0x18: {  	[tilespmem:s13], [sflag:$0x1] =	stream.linear.gather @!p0 [hbm4b:s14+s15], $0x4000, $0x38;
	[tilespmem:$0x10000] =	vst v63  }
0x19: {  	p0 =	sge.u32 s31, s6  }
.Ltmp2:
0x1a: {  	_ = 	snop;
	(pc) =	sbr.rel @p0 .LBB1_9-.Ltmp2, $1  }
0x1b: {  	_ =	sdelay $0x3  }
0x1c: {  	s13 =	sshll.u32 s9, $0x2  }
0x1d: {  	_ =	swait.ge [sflag:s5], $0x4000;
	s14 =	sshll.u32 s11, $0xE;
	s16 =	simm.s32 $0x0  }
0x1e: {  	p1 =	por $0x1, $0x1;
	s13 =	sand.u32 $0x10000, s13;
	[sflag:s5] =	ssyncset.done $0x0  }
0x1f: {  	s14 =	sand.u32 $0x4000, s14;
	s15 =	sshrl.u32 s13, $0x2;
	[sflag:s5] =	ssyncadd.s32 $0xFFFFC000  }
0x20: {  	s13 =	sor.u32 $0x8000, s14;
	s14 =	sadd.s32 $0x8040, s15;
	s15 =	sadd.s32 $0x40, s15  }
.LBB1_3:
0x21: {  	s16 =	sshll.u32 s16, $0x2  }
0x22: {  	p0 =	por p1, p1;
	s17 =	sshra.s32 s16, $0x2  }
0x23: {  	s18 =	simm.s32 $0x0;
	s16 =	sadd.s32 s17, s14;
	s17 =	sadd.s32 s17, s15  }
.LBB1_4:
0x24: {  	v0 =	vmov s17;
	_ =	sdelay $0x3  }
0x25: {  	s20 =	simm.s32 $0x0  }
0x26: {  	v6 =	vld.idx.msk [tilespmem:v0+s20+$0x30 ss:$0x1], $0xffff  }
0x27: {  	v7 =	vld.idx.msk [tilespmem:v0+s20+$0xFFFFFFC0 ss:$0x1], $0xffff  }
0x28: {  	v5 =	vld.idx.msk [tilespmem:v0+s20+$0xFFFFFFD0 ss:$0x1], $0xffff  }
0x29: {  	v4 =	vld.idx.msk [tilespmem:v0+s20+$0xFFFFFFE0 ss:$0x1], $0xffff  }
0x2a: {  	v3 =	vld.idx.msk [tilespmem:v0+s20+$0xFFFFFFF0 ss:$0x1], $0xffff  }
0x2b: {  	v1 =	vld.idx.msk [tilespmem:v0+s20+$0x0 ss:$0x1], $0xffff  }
0x2c: {  	v2 =	vld.idx.msk [tilespmem:v0+s20+$0x10 ss:$0x1], $0xffff;
	[tilespmem:s16+$0x30] =	vst v6  }
0x2d: {  	s19 =	simm.s32 $0x80;
	s21 =	simm.s32 $0x400;
	[tilespmem:s16+$0xFFFFFFC0] =	vst v7;
	v6 =	vld.idx.msk [tilespmem:v0+s20+$0x20 ss:$0x1], $0xffff;
	s20 =	smov.u32 s16  }
.LBB1_5:
0x2e: {  	p1 =	sne.s32 s21, $0xE00;
	v7 =	vld.idx.msk [tilespmem:v0+s19+$0x30 ss:$0x1], $0xffff;
	[tilespmem:s20+$0xFFFFFFD0] =	vst v5  }
0x2f: {  	v8 =	vld.idx.msk [tilespmem:v0+s19+$0xFFFFFFC0 ss:$0x1], $0xffff;
	[tilespmem:s20+$0xFFFFFFE0] =	vst v4  }
0x30: {  	v5 =	vld.idx.msk [tilespmem:v0+s19+$0xFFFFFFD0 ss:$0x1], $0xffff;
	[tilespmem:s20+$0xFFFFFFF0] =	vst v3  }
.Ltmp3:
0x31: {  	v4 =	vld.idx.msk [tilespmem:v0+s19+$0xFFFFFFE0 ss:$0x1], $0xffff;
	[tilespmem:s20+$0x0] =	vst v1;
	(pc) =	sbr.rel @p1 .LBB1_5-.Ltmp3, $4  }
0x32: {  	v3 =	vld.idx.msk [tilespmem:v0+s19+$0xFFFFFFF0 ss:$0x1], $0xffff;
	[tilespmem:s20+$0x10] =	vst v2  }
0x33: {  	v1 =	vld.idx.msk [tilespmem:v0+s19+$0x0 ss:$0x1], $0xffff;
	[tilespmem:s20+$0x20] =	vst v6;
	s20 =	sadd.s32 $0x400, s20  }
0x34: {  	v2 =	vld.idx.msk [tilespmem:v0+s19+$0x10 ss:$0x1], $0xffff;
	[tilespmem:s20+$0x30] =	vst v7  }
0x35: {  	[tilespmem:s20+$0xFFFFFFC0] =	vst v8;
	v6 =	vld.idx.msk [tilespmem:v0+s19+$0x20 ss:$0x1], $0xffff;
	s19 =	sshra.s32 s21, $0x2;
	s21 =	sadd.s32 $0x200, s21  }
0x36: {  	_ =	sdelay $0x2  }
0x37: {  	[tilespmem:s20+$0xFFFFFFD0] =	vst v5  }
0x38: {  	v56 =	vld.idx.msk [tilespmem:v0+s19+$0x30 ss:$0x1], $0xffff;
	[tilespmem:s20+$0xFFFFFFE0] =	vst v4  }
0x39: {  	v57 =	vld.idx.msk [tilespmem:v0+s19+$0xFFFFFFC0 ss:$0x1], $0xffff;
	[tilespmem:s20+$0xFFFFFFF0] =	vst v3  }
0x3a: {  	v58 =	vld.idx.msk [tilespmem:v0+s19+$0xFFFFFFD0 ss:$0x1], $0xffff;
	[tilespmem:s20+$0x0] =	vst v1  }
0x3b: {  	v59 =	vld.idx.msk [tilespmem:v0+s19+$0xFFFFFFE0 ss:$0x1], $0xffff;
	[tilespmem:s20+$0x10] =	vst v2  }
0x3c: {  	v60 =	vld.idx.msk [tilespmem:v0+s19+$0xFFFFFFF0 ss:$0x1], $0xffff;
	s31 =	sadd.s32 $0x400, s20;
	[tilespmem:s20+$0x20] =	vst v6  }
0x3d: {  	v61 =	vld.idx.msk [tilespmem:v0+s19+$0x0 ss:$0x1], $0xffff;
	[tilespmem:s31+$0x30] =	vst v56  }
0x3e: {  	v62 =	vld.idx.msk [tilespmem:v0+s19+$0x10 ss:$0x1], $0xffff;
	s18 =	sadd.s32 $0x1, s18;
	[tilespmem:s31+$0xFFFFFFC0] =	vst v57  }
0x3f: {  	v63 =	vld.idx.msk [tilespmem:v0+s19+$0x20 ss:$0x1], $0xffff;
	p1 =	sne.s32 s18, $0x8;
	[tilespmem:s31+$0xFFFFFFD0] =	vst v58  }
.Ltmp4:
0x40: {  	[tilespmem:s31+$0xFFFFFFE0] =	vst v59;
	(pc) =	sbr.rel @p1 .LBB1_4-.Ltmp4, $4  }
0x41: {  	[tilespmem:s31+$0xFFFFFFF0] =	vst v60  }
0x42: {  	[tilespmem:s31+$0x0] =	vst v61  }
0x43: {  	[tilespmem:s31+$0x10] =	vst v62  }
0x44: {  	s16 =	sadd.s32 $0x80, s16;
	s17 =	sadd.s32 $0x400, s17;
	[tilespmem:s31+$0x20] =	vst v63  }
.Ltmp5:
0x45: {  	(pc) =	sbr.rel @p0 .LBB1_3-.Ltmp5, $2  }
0x46: {  	_ =	sdelay $0x2  }
0x47: {  	s16 =	simm.s32 $0x2000;
	p1 =	por $0x0, $0x0  }
.Ltmp6:
0x48: {  	(pc) =	sbr.rel .LBB1_9-.Ltmp6, $4  }
0x49: {  	_ = 	snop  }
0x4a: {  	s12 =	sshll.u32 s12, $0xA  }
0x4b: {  	s12 =	sadd.s32 s4, s12  }
0x4c: {  	[hbm4b:s12+s8] =	stream.linear.scatter [tilespmem:s13], [sflag:$0x2], $0x4000, $0x38;
	[tilespmem:$0x10000] =	vst v63  }
.LBB1_10:
0x4d: {  	_ =	sfence.sel $0x180000  }
0x4e: {  	s2 =	simm.s32 $0x1;
	[bflag:$0x0] =	sbarrier.arrive $0xFFFF  }
0x4f: {  	s31 =	simm.s32 $0x2;
	[sflag:s2] =	ssyncpa.u1 $0x1  }
0x50: {  	[sflag:s31] =	ssyncpa.u1 $0x1  }
0x51: {  	p0 =	sne.s32 s0, $0x0;
	_ =	strace $0x9000004A  }
0x52: {  	s0 =	sadd.s32 @!p0 $0x100000, s1;
	[bflag:$0x2] =	sbarrier.arrive $0xFFFF  }
0x53: {  	[sflag:s0] =	ssyncadd.tile.s32 @!p0 $0x1;
	_ =	shalt  }
.Lfunc_end1:
_tile_overlayer_lowered:
.L_overlay_start_2:
0x54: {  	(tag) =	ssettag $0x2  }
0x55: {  	s0 =	rddreg [dreg:$0x0];
	s2 =	stileid.u32  }
0x56: {  	s1 =	rddreg [dreg:$0x1];
	p0 =	sne.s32 s2, $0x0  }
0x57: {  	s3 =	rddreg [dreg:$0x2];
	[bflag:$0x3] =	sbarrier.arrive $0xFFFF;
	s2 =	simm.s32 @!p0 $0x1C01  }
0x58: {  	[timem:s3], [sflag:s2] =	dma.local @!p0 [hbm:s0], s1  }
0x59: {  	s0 =	simm.s32 @!p0 $0x1  }
0x5a: {  	_ =	swait.ge @!p0 [sflag:s0], s1  }
0x5b: {  	s1 =	ssub.s32 @!p0 $0x0, s1;
	[sflag:s0] =	ssyncset.done @!p0 $0x0  }
0x5c: {  	[sflag:s0] =	ssyncadd.s32 @!p0 s1  }
0x5d: {  	[bflag:$0x3] =	sbarrier.arrive $0xFFFF  }
0x5e: {  	_ =	shalt  }

// kernel: sparse-core-data-format-call.cloned.1.call-start
scs
called_computation_lowered:
.L_overlay_start_0:
0x0: {  	s2 =	sld [smem:$0x3FD9]  }
0x1: {  	s3 =	sld [smem:$0x3FFE];
	_ =	sdelay $0x1  }
0x2: {  	s1 =	srdreg.scid  }
0x3: {  	s0 =	sand.u32 $0x1, s1  }
0x4: {  	s18 =	sshll.u32 s0, $0xA;
	s2 =	sadd.s32 s3, s2  }
0x5: {  	s2 =	sadd.s32 s2, s18  }
0x6: {  	[smem:$0x3FC6] =	sst s2  }
0x7: {  	_ = 	snop  }
0x8: {  	s2 =	sld [smem:$0x3FC8];
	(tm) =	ssettm $0x1  }
0x9: {  	s19 =	sld [smem:$0x3FFB];
	_ =	sdelay $0x3  }
0xa: {  	_ =	strace s19  }
0xb: {  	s3 =	sld [smem:$0x3FFC];
	_ =	sdelay $0x3  }
0xc: {  	_ =	strace s3  }
0xd: {  	s3 =	sld [smem:$0x3FFD];
	_ =	sdelay $0x3  }
0xe: {  	_ =	strace s3  }
0xf: {  	_ =	strace $0x8FFFFFFF  }
0x10: {  	s20 =	sld [smem:$0x3FDB];
	_ =	sdelay $0x1  }
0x11: {  	s4 =	simm.s32 $_scs_section_size  }
0x12: {  	s5 =	simm.s32 $_size__tile_overlayer_lowered;
	s6 =	simm.s32 $_tile_overlayer_lowered  }
0x13: {  	s23 =	simm.s32 $0x1BFF;
	s22 =	sshll.u32 s6, $0x1;
	s3 =	sadd.s32 s4, s20  }
0x14: {  	s7 =	simm.s32 $0x0;
	s21 =	sshll.u32 s5, $0x1;
	s5 =	sadd.s32 s22, s3  }
0x15: {  	[timem:s7], [sflag:s23] =	dma.local [hbm:s5], s21  }
0x16: {  	_ =	swait.ge [sflag:s23], s21  }
0x17: {  	s4 =	ssub.s32 $0x0, s21;
	[sflag:s23] =	ssyncset.done $0x0  }
0x18: {  	[sflag:s23] =	ssyncadd.s32 s4;
	_ =	sdelay $0x1  }
0x19: {  	s24 =	simm.s32 $0x1B8B  }
0x1a: {  	_ =	swait.ge [sflag:s24], $0x1  }
0x1b: {  	[sflag:s24] =	ssyncset.done $0x0  }
0x1c: {  	s26 =	simm.s32 $0x1B8E;
	s25 =	sld [smem:$0x3FFE];
	[sflag:s24] =	ssyncadd.s32 $0xFFFFFFFF  }
0x1d: {  	s27 =	simm.s32 $execute0_lowered;
	[smem:$0x3FD2] =	sst s26  }
0x1e: {  	s5 =	sshll.u32 s27, $0x1;
	_ =	strace $0x80000046;
	[dreg:$0x1] =	wrdreg $0xFFFFFFFF  }
0x1f: {  	s28 =	simm.s32 $_size_execute0_lowered;
	s3 =	sadd.s32 s3, s5;
	[dreg:$0x0] =	wrdreg $0x0  }
0x20: {  	s5 =	sshll.u32 s28, $0x1;
	[dreg:$0x2] =	wrdreg s3  }
0x21: {  	[dreg:$0x3] =	wrdreg s5  }
0x22: {  	[dreg:$0x4] =	wrdreg $0xC0  }
0x23: {  	_ =	task [dreg:s7], $0x5FFFF  }
0x24: {  	[dreg:$0x1] =	wrdreg $0xFFFFFFFF  }
0x25: {  	[dreg:$0x0] =	wrdreg $0x60  }
0x26: {  	[dreg:$0x2] =	wrdreg s2  }
0x27: {  	[dreg:$0x3] =	wrdreg s25  }
0x28: {  	[dreg:$0x4] =	wrdreg $0x9  }
0x29: {  	_ =	task.clear_ibuf [dreg:s7], $0x5FFFF;
	_ =	strace $0x90000046  }
0x2a: {  	s29 =	simm.s32 $0x9;
	_ =	strace $0x80000048  }
0x2b: {  	_ =	swait.ge [sflag:s29], $0x1  }
0x2c: {  	[sflag:s29] =	ssyncadd.s32 $0xFFFFFFFF  }
0x2d: {  	_ =	strace $0x90000048  }
0x2e: {  	_ =	sfence  }
0x2f: {  	s30 =	sld [smem:$0x0];
	_ =	sdelay $0x2  }
0x30: {  	s31 =	sshll.u32 s1, $0xD;
	s1 =	sshrl.u32 s1, $0x2  }
0x31: {  	s3 =	sand.u32 $0x4000, s31;
	s1 =	sadd.s32 s1, s30  }
0x32: {  	s0 =	sor.u32 s3, s0;
	s1 =	sshll.u32 s1, $0x11  }
0x33: {  	s0 =	sor.u32 s1, s0  }
0x34: {  	s0 =	sadd.s32 $0x8F2B, s0  }
0x35: {  	[sflag:s0] =	ssyncadd.remote.s32 $0x1  }
0x36: {  	_ =	sfence.sel $0xFFFF  }
0x37: {  	[dreg:$0x0] =	wrdreg $0xFFFFFFFF;
	(pc) =	sbr.abs _section_cstart, $3  }
0x38: {  	[dreg:$0x1] =	wrdreg $0xFFFFFFFF  }
0x39: {  	_ =	task.clear_ibuf [dreg:s7], $0x2FFFF;
	_ =	strace $0x9FFFFFFF  }
0x3a: {  	(tm) =	ssettm $0x7FFFFFFF  }
0x3b: {  	_ =	shalt  }
tec
execute0_lowered:
.L_overlay_start_1:
0x0: {  	(tag) =	ssettag $0x1  }
0x1: {  	s0 =	srdreg.scid  }
0x2: {  	s1 =	sshll.u32 s0, $0x4  }
0x3: {  	s2 =	rddreg [dreg:$0x0];
	s0 =	stileid.u32;
	s1 =	sand.u32 $0x10, s1  }
0x4: {  	s4 =	rddreg [dreg:$0x1];
	s7 =	simm.s32 $0x1;
	s1 =	sor.u32 s0, s1  }
0x5: {  	s8 =	simm.s32 $0x2;
	s9 =	simm.s32 $0x0;
	s3 =	sshll.u32 s1, $0x1  }
0x6: {  	s12 =	simm.s32 $0x0;
	s11 =	simm.s32 $0x0;
	s6 =	ssub.s32 $0x400, s3  }
.Ltmp0:
0x7: {  	s4 =	sadd.s32 $0xC00, s4;
	s5 =	sand.u32 $0x3E, s6;
	(pc) =	sbr.rel .LBB1_1-.Ltmp0, $4  }
0x8: {  	s1 =	rddreg [dreg:$0x2];
	_ =	strace $0x80000047;
	p0 =	sne.s32 s5, $0x0  }
0x9: {  	s6 =	sshrl.u32 s6, $0x6;
	s5 =	simm.s32 $0x1;
	s7 =	simm.s32 @!p0 $0x0  }
0xa: {  	s10 =	smov.u32 s3;
	[sflag:s5] =	ssyncpa.u1 $0x0;
	s6 =	sadd.s32 s7, s6  }
0xb: {  	[sflag:s8] =	ssyncpa.u1 $0x0;
	s8 =	simm.s32 $0x0;
	s7 =	sadd.s32 $0x1, s6  }
.LBB1_9:
0xc: {  	s14 =	sadd.s32 $0x40, s10  }
0xd: {  	p1 =	sgt.s32 s14, $0x3FF  }
0xe: {  	s14 =	smov.u32 @p1 s3;
	p1 =	sne.s32 s11, s7  }
.Ltmp1:
0xf: {  	p0 =	slt.u32 s11, $0x2;
	(pc) =	sbr.rel @!p1 .LBB1_10-.Ltmp1, $4  }
0x10: {  	s13 =	simm.s32 @!p0 $0x2  }
0x11: {  	s15 =	sadd.s32 $0x1, s11;
	_ =	swait.ge @!p0 [sflag:s13], $0x4000  }
0x12: {  	s12 =	smov.u32 s10;
	s9 =	sadd.s32 $0x4000, s9;
	[sflag:s13] =	ssyncset.done @!p0 $0x0  }
0x13: {  	s11 =	smov.u32 s15;
	s10 =	smov.u32 s14;
	[sflag:s13] =	ssyncadd.s32 @!p0 $0xFFFFC000  }
.LBB1_1:
0x14: {  	p0 =	sge.u32 s11, s6  }
0x15: {  	s13 =	sxor.u32 @!p0 $0xFFFFFFFF, s11  }
0x16: {  	s31 =	sadd.s32 $0xFFFFFFFF, s11;
	s14 =	sshll.u32 @!p0 s10, $0xA;
	s13 =	sshll.u32 @!p0 s13, $0xE  }
0x17: {  	s15 =	simm.s32 @!p0 $0x0;
	s14 =	sadd.s32 @!p0 s2, s14;
	s13 =	sand.u32 @!p0 $0x4000, s13  }
0x18: {  	[tilespmem:s13], [sflag:$0x1] =	stream.linear.gather @!p0 [hbm4b:s14+s15], $0x4000, $0x38;
	[tilespmem:$0x10000] =	vst v63  }
0x19: {  	p0 =	sge.u32 s31, s6  }
.Ltmp2:
0x1a: {  	_ = 	snop;
	(pc) =	sbr.rel @p0 .LBB1_9-.Ltmp2, $1  }
0x1b: {  	_ =	sdelay $0x3  }
0x1c: {  	s13 =	sshll.u32 s9, $0x2  }
0x1d: {  	_ =	swait.ge [sflag:s5], $0x4000;
	s14 =	sshll.u32 s11, $0xE;
	s16 =	simm.s32 $0x0  }
0x1e: {  	p1 =	por $0x1, $0x1;
	s13 =	sand.u32 $0x10000, s13;
	[sflag:s5] =	ssyncset.done $0x0  }
0x1f: {  	s14 =	sand.u32 $0x4000, s14;
	s15 =	sshrl.u32 s13, $0x2;
	[sflag:s5] =	ssyncadd.s32 $0xFFFFC000  }
0x20: {  	s13 =	sor.u32 $0x8000, s14;
	s14 =	sadd.s32 $0x8040, s15;
	s15 =	sadd.s32 $0x40, s15  }
.LBB1_3:
0x21: {  	s16 =	sshll.u32 s16, $0x2  }
0x22: {  	p0 =	por p1, p1;
	s17 =	sshra.s32 s16, $0x2  }
0x23: {  	s18 =	simm.s32 $0x0;
	s16 =	sadd.s32 s17, s14;
	s17 =	sadd.s32 s17, s15  }
.LBB1_4:
0x24: {  	v0 =	vmov s17;
	_ =	sdelay $0x3  }
0x25: {  	s20 =	simm.s32 $0x0  }
0x26: {  	v6 =	vld.idx.msk [tilespmem:v0+s20+$0x30 ss:$0x1], $0xffff  }
0x27: {  	v7 =	vld.idx.msk [tilespmem:v0+s20+$0xFFFFFFC0 ss:$0x1], $0xffff  }
0x28: {  	v5 =	vld.idx.msk [tilespmem:v0+s20+$0xFFFFFFD0 ss:$0x1], $0xffff  }
0x29: {  	v4 =	vld.idx.msk [tilespmem:v0+s20+$0xFFFFFFE0 ss:$0x1], $0xffff  }
0x2a: {  	v3 =	vld.idx.msk [tilespmem:v0+s20+$0xFFFFFFF0 ss:$0x1], $0xffff  }
0x2b: {  	v1 =	vld.idx.msk [tilespmem:v0+s20+$0x0 ss:$0x1], $0xffff  }
0x2c: {  	v2 =	vld.idx.msk [tilespmem:v0+s20+$0x10 ss:$0x1], $0xffff;
	[tilespmem:s16+$0x30] =	vst v6  }
0x2d: {  	s19 =	simm.s32 $0x80;
	s21 =	simm.s32 $0x400;
	[tilespmem:s16+$0xFFFFFFC0] =	vst v7;
	v6 =	vld.idx.msk [tilespmem:v0+s20+$0x20 ss:$0x1], $0xffff;
	s20 =	smov.u32 s16  }
.LBB1_5:
0x2e: {  	p1 =	sne.s32 s21, $0xE00;
	v7 =	vld.idx.msk [tilespmem:v0+s19+$0x30 ss:$0x1], $0xffff;
	[tilespmem:s20+$0xFFFFFFD0] =	vst v5  }
0x2f: {  	v8 =	vld.idx.msk [tilespmem:v0+s19+$0xFFFFFFC0 ss:$0x1], $0xffff;
	[tilespmem:s20+$0xFFFFFFE0] =	vst v4  }
0x30: {  	v5 =	vld.idx.msk [tilespmem:v0+s19+$0xFFFFFFD0 ss:$0x1], $0xffff;
	[tilespmem:s20+$0xFFFFFFF0] =	vst v3  }
.Ltmp3:
0x31: {  	v4 =	vld.idx.msk [tilespmem:v0+s19+$0xFFFFFFE0 ss:$0x1], $0xffff;
	[tilespmem:s20+$0x0] =	vst v1;
	(pc) =	sbr.rel @p1 .LBB1_5-.Ltmp3, $4  }
0x32: {  	v3 =	vld.idx.msk [tilespmem:v0+s19+$0xFFFFFFF0 ss:$0x1], $0xffff;
	[tilespmem:s20+$0x10] =	vst v2  }
0x33: {  	v1 =	vld.idx.msk [tilespmem:v0+s19+$0x0 ss:$0x1], $0xffff;
	[tilespmem:s20+$0x20] =	vst v6;
	s20 =	sadd.s32 $0x400, s20  }
0x34: {  	v2 =	vld.idx.msk [tilespmem:v0+s19+$0x10 ss:$0x1], $0xffff;
	[tilespmem:s20+$0x30] =	vst v7  }
0x35: {  	[tilespmem:s20+$0xFFFFFFC0] =	vst v8;
	v6 =	vld.idx.msk [tilespmem:v0+s19+$0x20 ss:$0x1], $0xffff;
	s19 =	sshra.s32 s21, $0x2;
	s21 =	sadd.s32 $0x200, s21  }
0x36: {  	_ =	sdelay $0x2  }
0x37: {  	[tilespmem:s20+$0xFFFFFFD0] =	vst v5  }
0x38: {  	v56 =	vld.idx.msk [tilespmem:v0+s19+$0x30 ss:$0x1], $0xffff;
	[tilespmem:s20+$0xFFFFFFE0] =	vst v4  }
0x39: {  	v57 =	vld.idx.msk [tilespmem:v0+s19+$0xFFFFFFC0 ss:$0x1], $0xffff;
	[tilespmem:s20+$0xFFFFFFF0] =	vst v3  }
0x3a: {  	v58 =	vld.idx.msk [tilespmem:v0+s19+$0xFFFFFFD0 ss:$0x1], $0xffff;
	[tilespmem:s20+$0x0] =	vst v1  }
0x3b: {  	v59 =	vld.idx.msk [tilespmem:v0+s19+$0xFFFFFFE0 ss:$0x1], $0xffff;
	[tilespmem:s20+$0x10] =	vst v2  }
0x3c: {  	v60 =	vld.idx.msk [tilespmem:v0+s19+$0xFFFFFFF0 ss:$0x1], $0xffff;
	s31 =	sadd.s32 $0x400, s20;
	[tilespmem:s20+$0x20] =	vst v6  }
0x3d: {  	v61 =	vld.idx.msk [tilespmem:v0+s19+$0x0 ss:$0x1], $0xffff;
	[tilespmem:s31+$0x30] =	vst v56  }
0x3e: {  	v62 =	vld.idx.msk [tilespmem:v0+s19+$0x10 ss:$0x1], $0xffff;
	s18 =	sadd.s32 $0x1, s18;
	[tilespmem:s31+$0xFFFFFFC0] =	vst v57  }
0x3f: {  	v63 =	vld.idx.msk [tilespmem:v0+s19+$0x20 ss:$0x1], $0xffff;
	p1 =	sne.s32 s18, $0x8;
	[tilespmem:s31+$0xFFFFFFD0] =	vst v58  }
.Ltmp4:
0x40: {  	[tilespmem:s31+$0xFFFFFFE0] =	vst v59;
	(pc) =	sbr.rel @p1 .LBB1_4-.Ltmp4, $4  }
0x41: {  	[tilespmem:s31+$0xFFFFFFF0] =	vst v60  }
0x42: {  	[tilespmem:s31+$0x0] =	vst v61  }
0x43: {  	[tilespmem:s31+$0x10] =	vst v62  }
0x44: {  	s16 =	sadd.s32 $0x80, s16;
	s17 =	sadd.s32 $0x400, s17;
	[tilespmem:s31+$0x20] =	vst v63  }
.Ltmp5:
0x45: {  	(pc) =	sbr.rel @p0 .LBB1_3-.Ltmp5, $2  }
0x46: {  	_ =	sdelay $0x2  }
0x47: {  	s16 =	simm.s32 $0x2000;
	p1 =	por $0x0, $0x0  }
.Ltmp6:
0x48: {  	(pc) =	sbr.rel .LBB1_9-.Ltmp6, $4  }
0x49: {  	_ = 	snop  }
0x4a: {  	s12 =	sshll.u32 s12, $0xA  }
0x4b: {  	s12 =	sadd.s32 s4, s12  }
0x4c: {  	[hbm4b:s12+s8] =	stream.linear.scatter [tilespmem:s13], [sflag:$0x2], $0x4000, $0x38;
	[tilespmem:$0x10000] =	vst v63  }
.LBB1_10:
0x4d: {  	_ =	sfence.sel $0x180000  }
0x4e: {  	s2 =	simm.s32 $0x1;
	[bflag:$0x0] =	sbarrier.arrive $0xFFFF  }
0x4f: {  	s31 =	simm.s32 $0x2;
	[sflag:s2] =	ssyncpa.u1 $0x1  }
0x50: {  	[sflag:s31] =	ssyncpa.u1 $0x1  }
0x51: {  	p0 =	sne.s32 s0, $0x0;
	_ =	strace $0x90000047  }
0x52: {  	s0 =	sadd.s32 @!p0 $0x100000, s1;
	[bflag:$0x2] =	sbarrier.arrive $0xFFFF  }
0x53: {  	[sflag:s0] =	ssyncadd.tile.s32 @!p0 $0x1;
	_ =	shalt  }
.Lfunc_end1:
_tile_overlayer_lowered:
.L_overlay_start_2:
0x54: {  	(tag) =	ssettag $0x2  }
0x55: {  	s0 =	rddreg [dreg:$0x0];
	s2 =	stileid.u32  }
0x56: {  	s1 =	rddreg [dreg:$0x1];
	p0 =	sne.s32 s2, $0x0  }
0x57: {  	s3 =	rddreg [dreg:$0x2];
	[bflag:$0x3] =	sbarrier.arrive $0xFFFF;
	s2 =	simm.s32 @!p0 $0x1C01  }
0x58: {  	[timem:s3], [sflag:s2] =	dma.local @!p0 [hbm:s0], s1  }
0x59: {  	s0 =	simm.s32 @!p0 $0x1  }
0x5a: {  	_ =	swait.ge @!p0 [sflag:s0], s1  }
0x5b: {  	s1 =	ssub.s32 @!p0 $0x0, s1;
	[sflag:s0] =	ssyncset.done @!p0 $0x0  }
0x5c: {  	[sflag:s0] =	ssyncadd.s32 @!p0 s1  }
0x5d: {  	[bflag:$0x3] =	sbarrier.arrive $0xFFFF  }
0x5e: {  	_ =	shalt  }

</sc_bundles>
